<compile_context>
chip_gen: v7x
topology: tpu7x:2x2x1
jax: 0.10.2.dev20260603
libtpu: 0.0.44.dev20260713+nightly
codegen_flags: <defaults>
</compile_context>

<pallas_src>
import functools

import jax
import jax.numpy as jnp
from jax import lax
from jax.experimental import pallas as pl
from jax.experimental.pallas import tpu as pltpu
from jax.experimental.pallas import tpu_sc as plsc

W_DATA = 0.75
W_SMOOTH = 0.25
W_KNN = 3.0
W_BQ = 1.0
K = 16
R2_KNN = 0.0625
R2_BQ = 0.5625

B = 4
N = 4096
T = 512


W_BQWIN = 512
_R2_KNN_BITS = 0x3D800000
_INT_MAX = 0x7FFFFFFF


def _select_body(pc_rows_ref, m2pc_t_ref, iknn_ref, ibq_ref):
    pc_rows = pc_rows_ref[0]
    m2pc_t = m2pc_t_ref[0]
    ab2 = lax.dot_general(pc_rows, m2pc_t, (((1,), (0,)), ((), ())),
                          preferred_element_type=jnp.float32)
    a2 = jnp.sum(pc_rows * pc_rows, axis=1, keepdims=True)
    b2 = 0.25 * jnp.sum(m2pc_t * m2pc_t, axis=0, keepdims=True)
    d2 = jnp.maximum((a2 + b2) + ab2, 0.0)
    iota = lax.broadcasted_iota(jnp.int32, (T, N), 1)
    cols = lax.broadcasted_iota(jnp.int32, (T, K), 1)

    bits = lax.bitcast_convert_type(d2, jnp.int32)
    packed = jnp.bitwise_or(jnp.bitwise_and(bits, jnp.int32(~0xFFF)), iota)
    workf = lax.bitcast_convert_type(packed + jnp.int32(0x00800000),
                                     jnp.float32)
    FW = N // 8
    work = workf[:, :FW]
    for f in range(1, 8):
        work = jnp.minimum(work, workf[:, f * FW:(f + 1) * FW])
    iknn = jnp.zeros((T, K), jnp.int32)
    j0 = None
    far_thresh = lax.bitcast_convert_type(
        jnp.int32((_R2_KNN_BITS | 0xFFF) + 0x00800000), jnp.float32)
    for t in range(K):
        kmin = jnp.min(work, axis=1, keepdims=True)
        jm = jnp.bitwise_and(lax.bitcast_convert_type(kmin, jnp.int32),
                             jnp.int32(0xFFF))
        if t == 0:
            j0 = jm
            sel = jm
        else:
            sel = jnp.where(kmin > far_thresh, j0, jm)
        iknn = jnp.where(cols == t, sel, iknn)
        work = jnp.where(work == kmin, jnp.float32(jnp.inf), work)
    iknn_ref[0] = iknn

    nf = jnp.float32(N)
    win_keys = jnp.where(d2[:, :W_BQWIN] < R2_BQ,
                         iota[:, :W_BQWIN].astype(jnp.float32), nf)
    BW = W_BQWIN // 4
    wk = win_keys[:, :BW]
    for f in range(1, 4):
        wk = jnp.minimum(wk, win_keys[:, f * BW:(f + 1) * BW])
    nonempty = jnp.sum(jnp.where(wk < nf, 1.0, 0.0), axis=1, keepdims=True)
    enough = jnp.min(nonempty) >= K

    def bq_fast():
        w = wk
        ibq = jnp.zeros((T, K), jnp.float32)
        for t in range(K):
            jm = jnp.min(w, axis=1, keepdims=True)
            ibq = jnp.where(cols == t, jm, ibq)
            w = jnp.where(w == jm, nf, w)
        return ibq.astype(jnp.int32)

    def bq_full():
        work2 = jnp.where(d2 < R2_BQ, iota.astype(jnp.float32), nf)
        ibq = jnp.zeros((T, K), jnp.float32)
        jf = None
        for t in range(K):
            jm = jnp.min(work2, axis=1, keepdims=True)
            if t == 0:
                jf = jm
                sel = jm
            else:
                sel = jnp.where(jm == nf, jf, jm)
            ibq = jnp.where(cols == t, sel, ibq)
            work2 = jnp.where(work2 == jm, nf, work2)
        return ibq.astype(jnp.int32)

    ibq_ref[0] = lax.cond(enough, bq_fast, bq_full)


def _select_indices(pc, pc_t):
    return pl.pallas_call(
        _select_body,
        grid=(B, N // T),
        in_specs=[
            pl.BlockSpec((1, T, 3), lambda b, i: (b, i, 0)),
            pl.BlockSpec((1, 3, N), lambda b, i: (b, 0, 0)),
        ],
        out_specs=[
            pl.BlockSpec((1, T, K), lambda b, i: (b, i, 0)),
            pl.BlockSpec((1, T, K), lambda b, i: (b, i, 0)),
        ],
        out_shape=[
            jax.ShapeDtypeStruct((B, N, K), jnp.int32),
            jax.ShapeDtypeStruct((B, N, K), jnp.int32),
        ],
    )(pc, pc_t)


@functools.cache
def _make_sc_loss():
    nc, ns, lanes = 2, 16, 16
    nw = nc * ns
    pw = (B * N) // nw
    wpb = N // pw
    dchunk = (B * N * 3) // nw

    @functools.partial(
        pl.kernel,
        mesh=plsc.VectorSubcoreMesh(core_axis_name="c", subcore_axis_name="s"),
        compiler_params=pltpu.CompilerParams(needs_layout_passes=False),
        out_type=jax.ShapeDtypeStruct((nw, 4 * lanes), jnp.float32),
        scratch_types=[
            pltpu.VMEM((3 * N,), jnp.float32),
            pltpu.VMEM((pw * K,), jnp.int32),
            pltpu.VMEM((pw * K,), jnp.int32),
            pltpu.VMEM((dchunk,), jnp.float32),
            pltpu.VMEM((dchunk,), jnp.float32),
            pltpu.VMEM((4 * lanes,), jnp.float32),
        ],
    )
    def sc_loss(pf_hbm, iknn_hbm, ibq_hbm, gf_hbm, out_hbm,
                flow_v, iknn_v, ibq_v, pf_v, gf_v, acc_v):
        wid = lax.axis_index("s") * nc + lax.axis_index("c")
        b = wid // wpb
        r0 = (wid % wpb) * pw
        pltpu.sync_copy(pf_hbm.at[pl.ds(b * 3 * N, 3 * N)], flow_v)
        pltpu.sync_copy(iknn_hbm.at[b, pl.ds(r0 * K, pw * K)], iknn_v)
        pltpu.sync_copy(ibq_hbm.at[b, pl.ds(r0 * K, pw * K)], ibq_v)
        d0 = wid * dchunk
        pltpu.sync_copy(pf_hbm.at[pl.ds(d0, dchunk)], pf_v)
        pltpu.sync_copy(gf_hbm.at[pl.ds(d0, dchunk)], gf_v)

        def point_body(p, carry):
            acc_knn, acc_bq = carry
            nspl = jnp.zeros((lanes,), jnp.int32) + 3 * (r0 + p)
            s0 = plsc.load_gather(flow_v, [nspl])
            s1 = plsc.load_gather(flow_v, [nspl + 1])
            s2 = plsc.load_gather(flow_v, [nspl + 2])
            ik = iknn_v[pl.ds(p * K, K)]
            ik3 = ik + ik + ik
            g0 = plsc.load_gather(flow_v, [ik3])
            g1 = plsc.load_gather(flow_v, [ik3 + 1])
            g2 = plsc.load_gather(flow_v, [ik3 + 2])
            acc_knn = acc_knn + jnp.abs(g0 - s0) + jnp.abs(g1 - s1) + jnp.abs(g2 - s2)
            ib = ibq_v[pl.ds(p * K, K)]
            ib3 = ib + ib + ib
            h0 = plsc.load_gather(flow_v, [ib3])
            h1 = plsc.load_gather(flow_v, [ib3 + 1])
            h2 = plsc.load_gather(flow_v, [ib3 + 2])
            acc_bq = acc_bq + jnp.abs(h0 - s0) + jnp.abs(h1 - s1) + jnp.abs(h2 - s2)
            return acc_knn, acc_bq

        zero = jnp.zeros((lanes,), jnp.float32)
        acc_knn, acc_bq = lax.fori_loop(0, pw, point_body, (zero, zero))

        def dt_body(i, acc):
            pv = pf_v[pl.ds(i * lanes, lanes)]
            gv = gf_v[pl.ds(i * lanes, lanes)]
            return acc + jnp.abs(pv - gv)

        acc_d = lax.fori_loop(0, dchunk // lanes, dt_body, zero)

        acc_v[pl.ds(0, lanes)] = acc_knn
        acc_v[pl.ds(lanes, lanes)] = acc_bq
        acc_v[pl.ds(2 * lanes, lanes)] = acc_d
        acc_v[pl.ds(3 * lanes, lanes)] = zero
        pltpu.sync_copy(acc_v, out_hbm.at[wid])

    return sc_loss


def kernel(pc_source, pc_target, pred_flow, gt_flow):
    del pc_target
    m2pc_t = jnp.transpose(-2.0 * pc_source, (0, 2, 1))
    iknn, ibq = _select_indices(pc_source, m2pc_t)
    parts = _make_sc_loss()(pred_flow.reshape(-1),
                            iknn.reshape(B, N * K), ibq.reshape(B, N * K),
                            gt_flow.reshape(-1))
    parts = parts.reshape(-1, 4, 16)
    knn_sum = jnp.sum(parts[:, 0, :])
    bq_sum = jnp.sum(parts[:, 1, :])
    data_sum = jnp.sum(parts[:, 2, :])
    denom = float(K * B * N)
    smooth = W_KNN * (knn_sum / denom) + W_BQ * (bq_sum / denom)
    data = data_sum / float(B * N * 3)
    return W_DATA * data + W_SMOOTH * smooth

# --- scband reference (transcript-rebuilt; emitter-appended) ---
"""Pipeline reference for scband-supervised-l1-reg-loss-46832323395803 (READ-ONLY COPY).

The authoritative reference and input builder live on the scoring server;
editing this copy changes nothing except your own understanding.
"""

import jax, jax.numpy as jnp
import numpy as np

W_DATA = 0.75
W_SMOOTH = 0.25
W_KNN = 3.0
W_BQ = 1.0
K_KNN = 16
R_KNN = 0.25
K_BQ = 16
R_BQ = 0.75


def _pairwise_d2(a, b):
    # a: [B,N,3], b: [B,M,3] -> [B,N,M] squared distances
    a2 = jnp.sum(a * a, axis=-1)[:, :, None]
    b2 = jnp.sum(b * b, axis=-1)[:, None, :]
    ab = jnp.einsum('bnd,bmd->bnm', a, b)
    return jnp.maximum(a2 + b2 - 2.0 * ab, 0.0)


def _knn_idx(pc, k, radius):
    # pointutils.knn + radius fallback to nearest neighbor (as in KnnLoss)
    pc = jax.lax.stop_gradient(pc)
    d2 = _pairwise_d2(pc, pc)
    neg_vals, idx = jax.lax.top_k(-d2, k)  # [B,N,k]
    dist = jnp.sqrt(jnp.maximum(-neg_vals, 0.0))
    tmp = jnp.broadcast_to(idx[:, :, 0:1], idx.shape)
    idx = jnp.where(dist > radius, tmp, idx)
    return idx


def _ball_query_idx(pc, k, radius):
    # pointutils.ball_query: first k indices within radius, padded with first hit
    pc = jax.lax.stop_gradient(pc)
    d2 = _pairwise_d2(pc, pc)
    N = pc.shape[1]
    within = d2 < (radius * radius)
    cand = jnp.where(within, jnp.arange(N, dtype=jnp.int32)[None, None, :], N)
    cand = jnp.sort(cand, axis=-1)[:, :, :k]
    first = cand[:, :, 0:1]
    idx = jnp.where(cand == N, first, cand)
    return idx


def _group(flow, idx):
    # flow: [B,3,N], idx: [B,N,k] -> [B,3,N,k]  (grouping_operation)
    return jax.vmap(lambda f, i: jnp.take(f, i, axis=1))(flow, idx)


def _smooth_term(flow, idx):
    nn_flow = _group(flow, idx)
    diff = flow[:, :, :, None] - nn_flow
    loss = jnp.sum(jnp.abs(diff), axis=1)  # p=1 norm over channel dim
    return jnp.mean(jnp.mean(loss, axis=-1))


def setup_inputs(seed: int = 0) -> dict:
    key = jax.random.key(seed)
    k1, k2, k3, k4 = jax.random.split(key, 4)
    pc_source = jax.random.uniform(k1, (4, 4096, 3), dtype=jnp.float32)
    pc_target = jax.random.uniform(k2, (4, 4096, 3), dtype=jnp.float32)
    pred_flow = jax.random.normal(k3, (4, 4096, 3), dtype=jnp.float32)
    gt_flow = jax.random.normal(k4, (4, 4096, 3), dtype=jnp.float32)
    return {"pc_source": pc_source, "pc_target": pc_target, "pred_flow": pred_flow, "gt_flow": gt_flow}


def reference(pc_source, pc_target, pred_flow, gt_flow):
    flow = jnp.transpose(pred_flow, (0, 2, 1))  # [B,3,N]
    idx_knn = _knn_idx(pc_source, K_KNN, R_KNN)
    idx_bq = _ball_query_idx(pc_source, K_BQ, R_BQ)
    l_knn = _smooth_term(flow, idx_knn)
    l_bq = _smooth_term(flow, idx_bq)
    smooth = W_KNN * l_knn + W_BQ * l_bq
    data = jnp.mean(jnp.abs(pred_flow - gt_flow))
    return W_DATA * data + W_SMOOTH * smooth

if __name__ == "__main__":
    import jax
    _d = setup_inputs()
    print(jax.jit(kernel)(*tuple(_d.values())))

</pallas_src>

<mosaic_0001>
#map = affine_map<(d0, d1) -> (0)>
#map1 = affine_map<(d0, d1) -> (0, 0)>
module attributes {stable_mosaic.version = 14 : i64} {
  func.func @sc_loss(%arg0: i32, %arg1: i32, %arg2: memref<49152xf32, #tpu.memory_space<hbm>>, %arg3: memref<4x65536xi32, #tpu.memory_space<hbm>>, %arg4: memref<4x65536xi32, #tpu.memory_space<hbm>>, %arg5: memref<49152xf32, #tpu.memory_space<hbm>>, %arg6: memref<32x64xf32, #tpu.memory_space<hbm>>, %arg7: memref<12288xf32, #tpu.memory_space<vmem>>, %arg8: memref<8192xi32, #tpu.memory_space<vmem>>, %arg9: memref<8192xi32, #tpu.memory_space<vmem>>, %arg10: memref<1536xf32, #tpu.memory_space<vmem>>, %arg11: memref<1536xf32, #tpu.memory_space<vmem>>, %arg12: memref<64xf32, #tpu.memory_space<vmem>>) attributes {dimension_semantics = [#tpu.dimension_semantics<core_parallel>, #tpu.dimension_semantics<subcore_parallel>], iteration_bounds = array<i64: 2, 16>, scalar_prefetch = 0 : i64, scratch_operands = 6 : i64, tpu.core_type = #tpu.core_type<sc_vector_subcore>, window_params = [{transform_indices = #map}, {transform_indices = #map1}, {transform_indices = #map1}, {transform_indices = #map}, {transform_indices = #map1}]} {
    %mul3A = arith.constant 2 : i32
    %mul3A_0 = arith.muli %arg1, %mul3A : i32
    %add3A = arith.addi %mul3A_0, %arg0 : i32
    %jit3A = arith.constant 8 : i32
    %div3A = arith.divsi %add3A, %jit3A : i32
    %sign3A = arith.constant 0 : i32
    %sign3A_1 = arith.cmpi sgt, %add3A, %sign3A : i32
    %sign3A_2 = arith.extui %sign3A_1 : i1 to i32
    %sign3A_3 = arith.constant 0 : i32
    %sign3A_4 = arith.cmpi slt, %add3A, %sign3A_3 : i32
    %sign3A_5 = arith.extui %sign3A_4 : i1 to i32
    %sign3A_6 = arith.subi %sign3A_2, %sign3A_5 : i32
    %sign3A_7 = arith.constant 0 : i32
    %sign3A_8 = arith.cmpi sgt, %jit3A, %sign3A_7 : i32
    %sign3A_9 = arith.extui %sign3A_8 : i1 to i32
    %sign3A_10 = arith.constant 0 : i32
    %sign3A_11 = arith.cmpi slt, %jit3A, %sign3A_10 : i32
    %sign3A_12 = arith.extui %sign3A_11 : i1 to i32
    %sign3A_13 = arith.subi %sign3A_9, %sign3A_12 : i32
    %ne3A = arith.cmpi ne, %sign3A_6, %sign3A_13 : i32
    %rem3A = arith.remsi %add3A, %jit3A : i32
    %ne3A_14 = arith.constant 0 : i32
    %ne3A_15 = arith.cmpi ne, %rem3A, %ne3A_14 : i32
    %and3A = arith.andi %ne3A, %ne3A_15 : i1
    %sub3A = arith.constant 1 : i32
    %sub3A_16 = arith.subi %div3A, %sub3A : i32
    %select_n3A = arith.select %and3A, %sub3A_16, %div3A : i32
    %jit3A_17 = arith.constant 8 : i32
    %eq3A = arith.constant 0 : i32
    %eq3A_18 = arith.cmpi eq, %jit3A_17, %eq3A : i32
    %jit3A_19 = arith.constant 1 : i32
    %select_n3A_20 = arith.select %eq3A_18, %jit3A_19, %jit3A_17 : i32
    %rem3A_21 = arith.remsi %add3A, %select_n3A_20 : i32
    %ne3A_22 = arith.constant 0 : i32
    %ne3A_23 = arith.cmpi ne, %rem3A_21, %ne3A_22 : i32
    %lt3A = arith.constant 0 : i32
    %lt3A_24 = arith.cmpi slt, %rem3A_21, %lt3A : i32
    %lt3A_25 = arith.constant 0 : i32
    %lt3A_26 = arith.cmpi slt, %select_n3A_20, %lt3A_25 : i32
    %ne3A_27 = arith.xori %lt3A_24, %lt3A_26 : i1
    %and3A_28 = arith.andi %ne3A_27, %ne3A_23 : i1
    %add3A_29 = arith.addi %rem3A_21, %select_n3A_20 : i32
    %select_n3A_30 = arith.select %and3A_28, %add3A_29, %rem3A_21 : i32
    %mul3A_31 = arith.constant 512 : i32
    %mul3A_32 = arith.muli %select_n3A_30, %mul3A_31 : i32
    %mul3A_33 = arith.constant 3 : i32
    %mul3A_34 = arith.muli %select_n3A, %mul3A_33 : i32
    %mul3A_35 = arith.constant 4096 : i32
    %mul3A_36 = arith.muli %mul3A_34, %mul3A_35 : i32
    "tpu.region"() ({
      %run_scoped3A = tpu.sem_alloc : memref<!tpu.dma_semaphore, #tpu.memory_space<semaphore_mem>>
      %dma_start3A = tpu.memref_slice %arg2[%mul3A_36] : memref<49152xf32, #tpu.memory_space<hbm>> -> memref<12288xf32, #tpu.memory_space<hbm>>
      %dma_start3A_62 = tpu.memref_slice %arg2[%mul3A_36] : memref<49152xf32, #tpu.memory_space<hbm>> -> memref<12288xf32, #tpu.memory_space<hbm>>
      tpu.enqueue_dma source(%dma_start3A_62 : memref<12288xf32, #tpu.memory_space<hbm>>) target(%arg7 : memref<12288xf32, #tpu.memory_space<vmem>>) target_semaphore(%run_scoped3A : memref<!tpu.dma_semaphore, #tpu.memory_space<semaphore_mem>>)
      %dma_wait3A = tpu.memref_slice %arg2[%mul3A_36] : memref<49152xf32, #tpu.memory_space<hbm>> -> memref<12288xf32, #tpu.memory_space<hbm>>
      %dma_wait3A_63 = tpu.memref_slice %arg2[%mul3A_36] : memref<49152xf32, #tpu.memory_space<hbm>> -> memref<12288xf32, #tpu.memory_space<hbm>>
      tpu.wait_dma2 semaphore(%run_scoped3A : memref<!tpu.dma_semaphore, #tpu.memory_space<semaphore_mem>>) src(%dma_wait3A_63 : memref<12288xf32, #tpu.memory_space<hbm>>) dst(%arg7 : memref<12288xf32, #tpu.memory_space<vmem>>)
      tpu.yield
    }) : () -> ()
    %mul3A_37 = arith.constant 16 : i32
    %mul3A_38 = arith.muli %mul3A_32, %mul3A_37 : i32
    "tpu.region"() ({
      %run_scoped3A = tpu.sem_alloc : memref<!tpu.dma_semaphore, #tpu.memory_space<semaphore_mem>>
      %dma_start3A = tpu.memref_slice %arg3[%select_n3A, %mul3A_38] : memref<4x65536xi32, #tpu.memory_space<hbm>> -> memref<1x8192xi32, #tpu.memory_space<hbm>>
      %dma_start3A_62 = tpu.memref_squeeze %dma_start3A : memref<1x8192xi32, #tpu.memory_space<hbm>> -> memref<8192xi32, #tpu.memory_space<hbm>>
      %dma_start3A_63 = tpu.memref_slice %arg3[%select_n3A, %mul3A_38] : memref<4x65536xi32, #tpu.memory_space<hbm>> -> memref<1x8192xi32, #tpu.memory_space<hbm>>
      %dma_start3A_64 = tpu.memref_squeeze %dma_start3A_63 : memref<1x8192xi32, #tpu.memory_space<hbm>> -> memref<8192xi32, #tpu.memory_space<hbm>>
      tpu.enqueue_dma source(%dma_start3A_64 : memref<8192xi32, #tpu.memory_space<hbm>>) target(%arg8 : memref<8192xi32, #tpu.memory_space<vmem>>) target_semaphore(%run_scoped3A : memref<!tpu.dma_semaphore, #tpu.memory_space<semaphore_mem>>)
      %dma_wait3A = tpu.memref_slice %arg3[%select_n3A, %mul3A_38] : memref<4x65536xi32, #tpu.memory_space<hbm>> -> memref<1x8192xi32, #tpu.memory_space<hbm>>
      %dma_wait3A_65 = tpu.memref_squeeze %dma_wait3A : memref<1x8192xi32, #tpu.memory_space<hbm>> -> memref<8192xi32, #tpu.memory_space<hbm>>
      %dma_wait3A_66 = tpu.memref_slice %arg3[%select_n3A, %mul3A_38] : memref<4x65536xi32, #tpu.memory_space<hbm>> -> memref<1x8192xi32, #tpu.memory_space<hbm>>
      %dma_wait3A_67 = tpu.memref_squeeze %dma_wait3A_66 : memref<1x8192xi32, #tpu.memory_space<hbm>> -> memref<8192xi32, #tpu.memory_space<hbm>>
      tpu.wait_dma2 semaphore(%run_scoped3A : memref<!tpu.dma_semaphore, #tpu.memory_space<semaphore_mem>>) src(%dma_wait3A_67 : memref<8192xi32, #tpu.memory_space<hbm>>) dst(%arg8 : memref<8192xi32, #tpu.memory_space<vmem>>)
      tpu.yield
    }) : () -> ()
    %mul3A_39 = arith.constant 16 : i32
    %mul3A_40 = arith.muli %mul3A_32, %mul3A_39 : i32
    "tpu.region"() ({
      %run_scoped3A = tpu.sem_alloc : memref<!tpu.dma_semaphore, #tpu.memory_space<semaphore_mem>>
      %dma_start3A = tpu.memref_slice %arg4[%select_n3A, %mul3A_40] : memref<4x65536xi32, #tpu.memory_space<hbm>> -> memref<1x8192xi32, #tpu.memory_space<hbm>>
      %dma_start3A_62 = tpu.memref_squeeze %dma_start3A : memref<1x8192xi32, #tpu.memory_space<hbm>> -> memref<8192xi32, #tpu.memory_space<hbm>>
      %dma_start3A_63 = tpu.memref_slice %arg4[%select_n3A, %mul3A_40] : memref<4x65536xi32, #tpu.memory_space<hbm>> -> memref<1x8192xi32, #tpu.memory_space<hbm>>
      %dma_start3A_64 = tpu.memref_squeeze %dma_start3A_63 : memref<1x8192xi32, #tpu.memory_space<hbm>> -> memref<8192xi32, #tpu.memory_space<hbm>>
      tpu.enqueue_dma source(%dma_start3A_64 : memref<8192xi32, #tpu.memory_space<hbm>>) target(%arg9 : memref<8192xi32, #tpu.memory_space<vmem>>) target_semaphore(%run_scoped3A : memref<!tpu.dma_semaphore, #tpu.memory_space<semaphore_mem>>)
      %dma_wait3A = tpu.memref_slice %arg4[%select_n3A, %mul3A_40] : memref<4x65536xi32, #tpu.memory_space<hbm>> -> memref<1x8192xi32, #tpu.memory_space<hbm>>
      %dma_wait3A_65 = tpu.memref_squeeze %dma_wait3A : memref<1x8192xi32, #tpu.memory_space<hbm>> -> memref<8192xi32, #tpu.memory_space<hbm>>
      %dma_wait3A_66 = tpu.memref_slice %arg4[%select_n3A, %mul3A_40] : memref<4x65536xi32, #tpu.memory_space<hbm>> -> memref<1x8192xi32, #tpu.memory_space<hbm>>
      %dma_wait3A_67 = tpu.memref_squeeze %dma_wait3A_66 : memref<1x8192xi32, #tpu.memory_space<hbm>> -> memref<8192xi32, #tpu.memory_space<hbm>>
      tpu.wait_dma2 semaphore(%run_scoped3A : memref<!tpu.dma_semaphore, #tpu.memory_space<semaphore_mem>>) src(%dma_wait3A_67 : memref<8192xi32, #tpu.memory_space<hbm>>) dst(%arg9 : memref<8192xi32, #tpu.memory_space<vmem>>)
      tpu.yield
    }) : () -> ()
    %mul3A_41 = arith.constant 1536 : i32
    %mul3A_42 = arith.muli %add3A, %mul3A_41 : i32
    "tpu.region"() ({
      %run_scoped3A = tpu.sem_alloc : memref<!tpu.dma_semaphore, #tpu.memory_space<semaphore_mem>>
      %dma_start3A = tpu.memref_slice %arg2[%mul3A_42] : memref<49152xf32, #tpu.memory_space<hbm>> -> memref<1536xf32, #tpu.memory_space<hbm>>
      %dma_start3A_62 = tpu.memref_slice %arg2[%mul3A_42] : memref<49152xf32, #tpu.memory_space<hbm>> -> memref<1536xf32, #tpu.memory_space<hbm>>
      tpu.enqueue_dma source(%dma_start3A_62 : memref<1536xf32, #tpu.memory_space<hbm>>) target(%arg10 : memref<1536xf32, #tpu.memory_space<vmem>>) target_semaphore(%run_scoped3A : memref<!tpu.dma_semaphore, #tpu.memory_space<semaphore_mem>>)
      %dma_wait3A = tpu.memref_slice %arg2[%mul3A_42] : memref<49152xf32, #tpu.memory_space<hbm>> -> memref<1536xf32, #tpu.memory_space<hbm>>
      %dma_wait3A_63 = tpu.memref_slice %arg2[%mul3A_42] : memref<49152xf32, #tpu.memory_space<hbm>> -> memref<1536xf32, #tpu.memory_space<hbm>>
      tpu.wait_dma2 semaphore(%run_scoped3A : memref<!tpu.dma_semaphore, #tpu.memory_space<semaphore_mem>>) src(%dma_wait3A_63 : memref<1536xf32, #tpu.memory_space<hbm>>) dst(%arg10 : memref<1536xf32, #tpu.memory_space<vmem>>)
      tpu.yield
    }) : () -> ()
    "tpu.region"() ({
      %run_scoped3A = tpu.sem_alloc : memref<!tpu.dma_semaphore, #tpu.memory_space<semaphore_mem>>
      %dma_start3A = tpu.memref_slice %arg5[%mul3A_42] : memref<49152xf32, #tpu.memory_space<hbm>> -> memref<1536xf32, #tpu.memory_space<hbm>>
      %dma_start3A_62 = tpu.memref_slice %arg5[%mul3A_42] : memref<49152xf32, #tpu.memory_space<hbm>> -> memref<1536xf32, #tpu.memory_space<hbm>>
      tpu.enqueue_dma source(%dma_start3A_62 : memref<1536xf32, #tpu.memory_space<hbm>>) target(%arg11 : memref<1536xf32, #tpu.memory_space<vmem>>) target_semaphore(%run_scoped3A : memref<!tpu.dma_semaphore, #tpu.memory_space<semaphore_mem>>)
      %dma_wait3A = tpu.memref_slice %arg5[%mul3A_42] : memref<49152xf32, #tpu.memory_space<hbm>> -> memref<1536xf32, #tpu.memory_space<hbm>>
      %dma_wait3A_63 = tpu.memref_slice %arg5[%mul3A_42] : memref<49152xf32, #tpu.memory_space<hbm>> -> memref<1536xf32, #tpu.memory_space<hbm>>
      tpu.wait_dma2 semaphore(%run_scoped3A : memref<!tpu.dma_semaphore, #tpu.memory_space<semaphore_mem>>) src(%dma_wait3A_63 : memref<1536xf32, #tpu.memory_space<hbm>>) dst(%arg11 : memref<1536xf32, #tpu.memory_space<vmem>>)
      tpu.yield
    }) : () -> ()
    %broadcast_in_dim3A = arith.constant 0.000000e+00 : f32
    %broadcast_in_dim3A_43 = vector.broadcast %broadcast_in_dim3A : f32 to vector<16xf32>
    %scan3A = arith.constant 0 : i32
    %scan3A_44 = arith.constant 512 : i32
    %scan3A_45 = arith.addi %scan3A, %scan3A_44 : i32
    %scan3A_46 = arith.constant 1 : i32
    %scan3A_47:2 = scf.for %scan3A_62 = %scan3A to %scan3A_45 step %scan3A_46 iter_args(%scan3A_63 = %broadcast_in_dim3A_43, %scan3A_64 = %broadcast_in_dim3A_43) -> (vector<16xf32>, vector<16xf32>)  : i32 {
      %broadcast_in_dim3A_65 = arith.constant 0 : i32
      %broadcast_in_dim3A_66 = vector.broadcast %broadcast_in_dim3A_65 : i32 to vector<16xi32>
      %add3A_67 = arith.addi %mul3A_32, %scan3A_62 : i32
      %mul3A_68 = arith.constant 3 : i32
      %mul3A_69 = arith.muli %mul3A_68, %add3A_67 : i32
      %add3A_70 = vector.broadcast %mul3A_69 : i32 to vector<16xi32>
      %add3A_71 = arith.addi %broadcast_in_dim3A_66, %add3A_70 : vector<16xi32>
      %gather3A = tpu.vector_load_idx %arg7[%add3A_71] : memref<12288xf32, #tpu.memory_space<vmem>>[vector<16xi32>], vector<16xf32>,
      %add3A_72 = arith.constant 1 : i32
      %add3A_73 = vector.broadcast %add3A_72 : i32 to vector<16xi32>
      %add3A_74 = arith.addi %add3A_71, %add3A_73 : vector<16xi32>
      %gather3A_75 = tpu.vector_load_idx %arg7[%add3A_74] : memref<12288xf32, #tpu.memory_space<vmem>>[vector<16xi32>], vector<16xf32>,
      %add3A_76 = arith.constant 2 : i32
      %add3A_77 = vector.broadcast %add3A_76 : i32 to vector<16xi32>
      %add3A_78 = arith.addi %add3A_71, %add3A_77 : vector<16xi32>
      %gather3A_79 = tpu.vector_load_idx %arg7[%add3A_78] : memref<12288xf32, #tpu.memory_space<vmem>>[vector<16xi32>], vector<16xf32>,
      %mul3A_80 = arith.constant 16 : i32
      %mul3A_81 = arith.muli %scan3A_62, %mul3A_80 : i32
      %get3A = arith.index_cast %mul3A_81 : i32 to index
      %get3A_82 = tpu.vector_load %arg8[%get3A] {strides = array<i32>} : memref<8192xi32, #tpu.memory_space<vmem>>, vector<16xi32>,
      %add3A_83 = arith.addi %get3A_82, %get3A_82 : vector<16xi32>
      %add3A_84 = arith.addi %add3A_83, %get3A_82 : vector<16xi32>
      %gather3A_85 = tpu.vector_load_idx %arg7[%add3A_84] : memref<12288xf32, #tpu.memory_space<vmem>>[vector<16xi32>], vector<16xf32>,
      %add3A_86 = arith.constant 1 : i32
      %add3A_87 = vector.broadcast %add3A_86 : i32 to vector<16xi32>
      %add3A_88 = arith.addi %add3A_84, %add3A_87 : vector<16xi32>
      %gather3A_89 = tpu.vector_load_idx %arg7[%add3A_88] : memref<12288xf32, #tpu.memory_space<vmem>>[vector<16xi32>], vector<16xf32>,
      %add3A_90 = arith.constant 2 : i32
      %add3A_91 = vector.broadcast %add3A_90 : i32 to vector<16xi32>
      %add3A_92 = arith.addi %add3A_84, %add3A_91 : vector<16xi32>
      %gather3A_93 = tpu.vector_load_idx %arg7[%add3A_92] : memref<12288xf32, #tpu.memory_space<vmem>>[vector<16xi32>], vector<16xf32>,
      %sub3A_94 = arith.subf %gather3A_85, %gather3A : vector<16xf32>
      %abs3A = math.absf %sub3A_94 : vector<16xf32>
      %add3A_95 = arith.addf %scan3A_63, %abs3A : vector<16xf32>
      %sub3A_96 = arith.subf %gather3A_89, %gather3A_75 : vector<16xf32>
      %abs3A_97 = math.absf %sub3A_96 : vector<16xf32>
      %add3A_98 = arith.addf %add3A_95, %abs3A_97 : vector<16xf32>
      %sub3A_99 = arith.subf %gather3A_93, %gather3A_79 : vector<16xf32>
      %abs3A_100 = math.absf %sub3A_99 : vector<16xf32>
      %add3A_101 = arith.addf %add3A_98, %abs3A_100 : vector<16xf32>
      %mul3A_102 = arith.constant 16 : i32
      %mul3A_103 = arith.muli %scan3A_62, %mul3A_102 : i32
      %get3A_104 = arith.index_cast %mul3A_103 : i32 to index
      %get3A_105 = tpu.vector_load %arg9[%get3A_104] {strides = array<i32>} : memref<8192xi32, #tpu.memory_space<vmem>>, vector<16xi32>,
      %add3A_106 = arith.addi %get3A_105, %get3A_105 : vector<16xi32>
      %add3A_107 = arith.addi %add3A_106, %get3A_105 : vector<16xi32>
      %gather3A_108 = tpu.vector_load_idx %arg7[%add3A_107] : memref<12288xf32, #tpu.memory_space<vmem>>[vector<16xi32>], vector<16xf32>,
      %add3A_109 = arith.constant 1 : i32
      %add3A_110 = vector.broadcast %add3A_109 : i32 to vector<16xi32>
      %add3A_111 = arith.addi %add3A_107, %add3A_110 : vector<16xi32>
      %gather3A_112 = tpu.vector_load_idx %arg7[%add3A_111] : memref<12288xf32, #tpu.memory_space<vmem>>[vector<16xi32>], vector<16xf32>,
      %add3A_113 = arith.constant 2 : i32
      %add3A_114 = vector.broadcast %add3A_113 : i32 to vector<16xi32>
      %add3A_115 = arith.addi %add3A_107, %add3A_114 : vector<16xi32>
      %gather3A_116 = tpu.vector_load_idx %arg7[%add3A_115] : memref<12288xf32, #tpu.memory_space<vmem>>[vector<16xi32>], vector<16xf32>,
      %sub3A_117 = arith.subf %gather3A_108, %gather3A : vector<16xf32>
      %abs3A_118 = math.absf %sub3A_117 : vector<16xf32>
      %add3A_119 = arith.addf %scan3A_64, %abs3A_118 : vector<16xf32>
      %sub3A_120 = arith.subf %gather3A_112, %gather3A_75 : vector<16xf32>
      %abs3A_121 = math.absf %sub3A_120 : vector<16xf32>
      %add3A_122 = arith.addf %add3A_119, %abs3A_121 : vector<16xf32>
      %sub3A_123 = arith.subf %gather3A_116, %gather3A_79 : vector<16xf32>
      %abs3A_124 = math.absf %sub3A_123 : vector<16xf32>
      %add3A_125 = arith.addf %add3A_122, %abs3A_124 : vector<16xf32>
      scf.yield %add3A_101, %add3A_125 : vector<16xf32>, vector<16xf32>
    }
    %scan3A_48 = arith.constant 512 : i32
    %scan3A_49 = arith.constant 0 : i32
    %scan3A_50 = arith.constant 96 : i32
    %scan3A_51 = arith.addi %scan3A_49, %scan3A_50 : i32
    %scan3A_52 = arith.constant 1 : i32
    %scan3A_53 = scf.for %scan3A_62 = %scan3A_49 to %scan3A_51 step %scan3A_52 iter_args(%scan3A_63 = %broadcast_in_dim3A_43) -> (vector<16xf32>)  : i32 {
      %mul3A_64 = arith.constant 16 : i32
      %mul3A_65 = arith.muli %scan3A_62, %mul3A_64 : i32
      %get3A = arith.index_cast %mul3A_65 : i32 to index
      %get3A_66 = tpu.vector_load %arg10[%get3A] {strides = array<i32>} : memref<1536xf32, #tpu.memory_space<vmem>>, vector<16xf32>,
      %mul3A_67 = arith.constant 16 : i32
      %mul3A_68 = arith.muli %scan3A_62, %mul3A_67 : i32
      %get3A_69 = arith.index_cast %mul3A_68 : i32 to index
      %get3A_70 = tpu.vector_load %arg11[%get3A_69] {strides = array<i32>} : memref<1536xf32, #tpu.memory_space<vmem>>, vector<16xf32>,
      %sub3A_71 = arith.subf %get3A_66, %get3A_70 : vector<16xf32>
      %abs3A = math.absf %sub3A_71 : vector<16xf32>
      %add3A_72 = arith.addf %scan3A_63, %abs3A : vector<16xf32>
      scf.yield %add3A_72 : vector<16xf32>
    }
    %scan3A_54 = arith.constant 96 : i32
    %swap3A = arith.constant 0 : index
    %swap3A_55 = tpu.vector_load %arg12[%swap3A] {strides = array<i32>} : memref<64xf32, #tpu.memory_space<vmem>>, vector<16xf32>,
    tpu.vector_store %arg12[%swap3A], %scan3A_47#0 {strides = array<i32>} : memref<64xf32, #tpu.memory_space<vmem>>, vector<16xf32>,
    %swap3A_56 = arith.constant 16 : index
    %swap3A_57 = tpu.vector_load %arg12[%swap3A_56] {strides = array<i32>} : memref<64xf32, #tpu.memory_space<vmem>>, vector<16xf32>,
    tpu.vector_store %arg12[%swap3A_56], %scan3A_47#1 {strides = array<i32>} : memref<64xf32, #tpu.memory_space<vmem>>, vector<16xf32>,
    %swap3A_58 = arith.constant 32 : index
    %swap3A_59 = tpu.vector_load %arg12[%swap3A_58] {strides = array<i32>} : memref<64xf32, #tpu.memory_space<vmem>>, vector<16xf32>,
    tpu.vector_store %arg12[%swap3A_58], %scan3A_53 {strides = array<i32>} : memref<64xf32, #tpu.memory_space<vmem>>, vector<16xf32>,
    %swap3A_60 = arith.constant 48 : index
    %swap3A_61 = tpu.vector_load %arg12[%swap3A_60] {strides = array<i32>} : memref<64xf32, #tpu.memory_space<vmem>>, vector<16xf32>,
    tpu.vector_store %arg12[%swap3A_60], %broadcast_in_dim3A_43 {strides = array<i32>} : memref<64xf32, #tpu.memory_space<vmem>>, vector<16xf32>,
    "tpu.region"() ({
      %run_scoped3A = tpu.sem_alloc : memref<!tpu.dma_semaphore, #tpu.memory_space<semaphore_mem>>
      %dma_start3A = arith.constant 0 : i32
      %dma_start3A_62 = tpu.memref_slice %arg6[%add3A, %dma_start3A] : memref<32x64xf32, #tpu.memory_space<hbm>> -> memref<1x64xf32, #tpu.memory_space<hbm>>
      %dma_start3A_63 = tpu.memref_squeeze %dma_start3A_62 : memref<1x64xf32, #tpu.memory_space<hbm>> -> memref<64xf32, #tpu.memory_space<hbm>>
      %dma_start3A_64 = arith.constant 0 : i32
      %dma_start3A_65 = tpu.memref_slice %arg6[%add3A, %dma_start3A_64] : memref<32x64xf32, #tpu.memory_space<hbm>> -> memref<1x64xf32, #tpu.memory_space<hbm>>
      %dma_start3A_66 = tpu.memref_squeeze %dma_start3A_65 : memref<1x64xf32, #tpu.memory_space<hbm>> -> memref<64xf32, #tpu.memory_space<hbm>>
      tpu.enqueue_dma source(%arg12 : memref<64xf32, #tpu.memory_space<vmem>>) target(%dma_start3A_66 : memref<64xf32, #tpu.memory_space<hbm>>) target_semaphore(%run_scoped3A : memref<!tpu.dma_semaphore, #tpu.memory_space<semaphore_mem>>)
      %dma_wait3A = arith.constant 0 : i32
      %dma_wait3A_67 = tpu.memref_slice %arg6[%add3A, %dma_wait3A] : memref<32x64xf32, #tpu.memory_space<hbm>> -> memref<1x64xf32, #tpu.memory_space<hbm>>
      %dma_wait3A_68 = tpu.memref_squeeze %dma_wait3A_67 : memref<1x64xf32, #tpu.memory_space<hbm>> -> memref<64xf32, #tpu.memory_space<hbm>>
      %dma_wait3A_69 = arith.constant 0 : i32
      %dma_wait3A_70 = tpu.memref_slice %arg6[%add3A, %dma_wait3A_69] : memref<32x64xf32, #tpu.memory_space<hbm>> -> memref<1x64xf32, #tpu.memory_space<hbm>>
      %dma_wait3A_71 = tpu.memref_squeeze %dma_wait3A_70 : memref<1x64xf32, #tpu.memory_space<hbm>> -> memref<64xf32, #tpu.memory_space<hbm>>
      tpu.wait_dma2 semaphore(%run_scoped3A : memref<!tpu.dma_semaphore, #tpu.memory_space<semaphore_mem>>) src(%arg12 : memref<64xf32, #tpu.memory_space<vmem>>) dst(%dma_wait3A_71 : memref<64xf32, #tpu.memory_space<hbm>>)
      tpu.yield
    }) : () -> ()
    return
  }
}

module attributes {stable_mosaic.version = 14 : i64} {
  func.func @_select_body(%arg0: i32, %arg1: i32, %arg2: memref<1x512x3xf32, #tpu.memory_space<vmem>>, %arg3: memref<1x3x4096xf32, #tpu.memory_space<vmem>>, %arg4: memref<1x512x16xi32, #tpu.memory_space<vmem>>, %arg5: memref<1x512x16xi32, #tpu.memory_space<vmem>>) attributes {dimension_semantics = [#tpu.dimension_semantics<arbitrary>, #tpu.dimension_semantics<arbitrary>], iteration_bounds = array<i64: 4, 8>, scalar_prefetch = 0 : i64, scratch_operands = 0 : i64, tpu.core_type = #tpu.core_type<tc>, window_params = [{transform_indices = @transform_0, window_bounds = array<i64: 1, 512, 3>}, {transform_indices = @transform_1, window_bounds = array<i64: 1, 3, 4096>}, {transform_indices = @transform_2, window_bounds = array<i64: 1, 512, 16>}, {transform_indices = @transform_3, window_bounds = array<i64: 1, 512, 16>}]} {
    %get3A = arith.constant 0 : index
    %get3A_0 = arith.constant 0 : index
    %get3A_1 = arith.constant 0 : index
    %get3A_2 = vector.load %arg2[%get3A, %get3A_0, %get3A_1] : memref<1x512x3xf32, #tpu.memory_space<vmem>>, vector<1x512x3xf32>
    %get3A_3 = vector.shape_cast %get3A_2 : vector<1x512x3xf32> to vector<512x3xf32>
    %get3A_4 = arith.constant 0 : index
    %get3A_5 = arith.constant 0 : index
    %get3A_6 = arith.constant 0 : index
    %get3A_7 = vector.load %arg3[%get3A_4, %get3A_5, %get3A_6] : memref<1x3x4096xf32, #tpu.memory_space<vmem>>, vector<1x3x4096xf32>
    %get3A_8 = vector.shape_cast %get3A_7 : vector<1x3x4096xf32> to vector<3x4096xf32>
    %dot_general3A = arith.constant dense<0.000000e+00> : vector<512x4096xf32>
    %dot_general3A_9 = tpu.matmul %get3A_3, %get3A_8, %dot_general3A {dimension_numbers = #tpu.dot_dimension_numbers<[1], [0], [0], [1], [0, 0, 1, 1], [], []>, transpose_lhs_hint = false} : vector<512x3xf32>, vector<3x4096xf32>, vector<512x4096xf32> -> vector<512x4096xf32>
    %mul3A = arith.mulf %get3A_3, %get3A_3 : vector<512x3xf32>
    %reduce_sum3A = arith.constant dense<0.000000e+00> : vector<512xf32>
    %reduce_sum3A_10 = vector.multi_reduction <add>, %mul3A, %reduce_sum3A [1] : vector<512x3xf32> to vector<512xf32>
    %broadcast_in_dim3A = vector.shape_cast %reduce_sum3A_10 : vector<512xf32> to vector<512x1xf32>
    %mul3A_11 = arith.mulf %get3A_8, %get3A_8 : vector<3x4096xf32>
    %reduce_sum3A_12 = arith.constant dense<0.000000e+00> : vector<4096xf32>
    %reduce_sum3A_13 = vector.multi_reduction <add>, %mul3A_11, %reduce_sum3A_12 [0] : vector<3x4096xf32> to vector<4096xf32>
    %broadcast_in_dim3A_14 = vector.shape_cast %reduce_sum3A_13 : vector<4096xf32> to vector<1x4096xf32>
    %mul3A_15 = arith.constant 2.500000e-01 : f32
    %mul3A_16 = vector.broadcast %mul3A_15 : f32 to vector<1x4096xf32>
    %mul3A_17 = arith.mulf %mul3A_16, %broadcast_in_dim3A_14 : vector<1x4096xf32>
    %add3A = vector.broadcast %broadcast_in_dim3A : vector<512x1xf32> to vector<512x4096xf32>
    %add3A_18 = vector.broadcast %mul3A_17 : vector<1x4096xf32> to vector<512x4096xf32>
    %add3A_19 = arith.addf %add3A, %add3A_18 : vector<512x4096xf32>
    %add3A_20 = arith.addf %add3A_19, %dot_general3A_9 : vector<512x4096xf32>
    %max3A = arith.constant 0.000000e+00 : f32
    %max3A_21 = vector.broadcast %max3A : f32 to vector<512x4096xf32>
    %max3A_22 = arith.maximumf %add3A_20, %max3A_21 : vector<512x4096xf32>
    %iota3A = tpu.iota {dimensions = array<i32: 1>} : vector<512x4096xi32>
    %iota3A_23 = tpu.iota {dimensions = array<i32: 1>} : vector<512x16xi32>
    %bitcast_convert_type3A = tpu.bitcast %max3A_22 : vector<512x4096xf32> -> vector<512x4096xi32>
    %and3A = arith.constant -4096 : i32
    %and3A_24 = vector.broadcast %and3A : i32 to vector<512x4096xi32>
    %and3A_25 = arith.andi %bitcast_convert_type3A, %and3A_24 : vector<512x4096xi32>
    %or3A = arith.ori %and3A_25, %iota3A : vector<512x4096xi32>
    %add3A_26 = arith.constant 8388608 : i32
    %add3A_27 = vector.broadcast %add3A_26 : i32 to vector<512x4096xi32>
    %add3A_28 = arith.addi %or3A, %add3A_27 : vector<512x4096xi32>
    %bitcast_convert_type3A_29 = tpu.bitcast %add3A_28 : vector<512x4096xi32> -> vector<512x4096xf32>
    %slice3A = vector.extract_strided_slice %bitcast_convert_type3A_29 {offsets = [0, 0], sizes = [512, 512], strides = [1, 1]} : vector<512x4096xf32> to vector<512x512xf32>
    %slice3A_30 = vector.extract_strided_slice %bitcast_convert_type3A_29 {offsets = [0, 512], sizes = [512, 512], strides = [1, 1]} : vector<512x4096xf32> to vector<512x512xf32>
    %min3A = arith.minimumf %slice3A, %slice3A_30 : vector<512x512xf32>
    %slice3A_31 = vector.extract_strided_slice %bitcast_convert_type3A_29 {offsets = [0, 1024], sizes = [512, 512], strides = [1, 1]} : vector<512x4096xf32> to vector<512x512xf32>
    %min3A_32 = arith.minimumf %min3A, %slice3A_31 : vector<512x512xf32>
    %slice3A_33 = vector.extract_strided_slice %bitcast_convert_type3A_29 {offsets = [0, 1536], sizes = [512, 512], strides = [1, 1]} : vector<512x4096xf32> to vector<512x512xf32>
    %min3A_34 = arith.minimumf %min3A_32, %slice3A_33 : vector<512x512xf32>
    %slice3A_35 = vector.extract_strided_slice %bitcast_convert_type3A_29 {offsets = [0, 2048], sizes = [512, 512], strides = [1, 1]} : vector<512x4096xf32> to vector<512x512xf32>
    %min3A_36 = arith.minimumf %min3A_34, %slice3A_35 : vector<512x512xf32>
    %slice3A_37 = vector.extract_strided_slice %bitcast_convert_type3A_29 {offsets = [0, 2560], sizes = [512, 512], strides = [1, 1]} : vector<512x4096xf32> to vector<512x512xf32>
    %min3A_38 = arith.minimumf %min3A_36, %slice3A_37 : vector<512x512xf32>
    %slice3A_39 = vector.extract_strided_slice %bitcast_convert_type3A_29 {offsets = [0, 3072], sizes = [512, 512], strides = [1, 1]} : vector<512x4096xf32> to vector<512x512xf32>
    %min3A_40 = arith.minimumf %min3A_38, %slice3A_39 : vector<512x512xf32>
    %slice3A_41 = vector.extract_strided_slice %bitcast_convert_type3A_29 {offsets = [0, 3584], sizes = [512, 512], strides = [1, 1]} : vector<512x4096xf32> to vector<512x512xf32>
    %min3A_42 = arith.minimumf %min3A_40, %slice3A_41 : vector<512x512xf32>
    %broadcast_in_dim3A_43 = arith.constant 0 : i32
    %broadcast_in_dim3A_44 = vector.broadcast %broadcast_in_dim3A_43 : i32 to vector<512x16xi32>
    %bitcast_convert_type3A_45 = arith.constant 1040191487 : i32
    %bitcast_convert_type3A_46 = arith.bitcast %bitcast_convert_type3A_45 : i32 to f32
    %reduce_min3A = arith.constant dense<0x7F800000> : vector<512xf32>
    %reduce_min3A_47 = vector.multi_reduction <minimumf>, %min3A_42, %reduce_min3A [1] : vector<512x512xf32> to vector<512xf32>
    %broadcast_in_dim3A_48 = vector.shape_cast %reduce_min3A_47 : vector<512xf32> to vector<512x1xf32>
    %bitcast_convert_type3A_49 = tpu.bitcast %broadcast_in_dim3A_48 : vector<512x1xf32> -> vector<512x1xi32>
    %and3A_50 = arith.constant 4095 : i32
    %and3A_51 = vector.broadcast %and3A_50 : i32 to vector<512x1xi32>
    %and3A_52 = arith.andi %bitcast_convert_type3A_49, %and3A_51 : vector<512x1xi32>
    %eq3A = arith.constant 0 : i32
    %eq3A_53 = vector.broadcast %eq3A : i32 to vector<512x16xi32>
    %eq3A_54 = arith.cmpi eq, %iota3A_23, %eq3A_53 : vector<512x16xi32>
    %broadcast_in_dim3A_55 = vector.shape_cast %and3A_52 : vector<512x1xi32> to vector<512x1xi32>
    %broadcast_in_dim3A_56 = vector.broadcast %broadcast_in_dim3A_55 : vector<512x1xi32> to vector<512x16xi32>
    %select_n3A = arith.select %eq3A_54, %broadcast_in_dim3A_56, %broadcast_in_dim3A_44 : vector<512x16xi1>, vector<512x16xi32>
    %eq3A_57 = vector.broadcast %broadcast_in_dim3A_48 : vector<512x1xf32> to vector<512x512xf32>
    %eq3A_58 = arith.cmpf oeq, %min3A_42, %eq3A_57 : vector<512x512xf32>
    %jit3A = arith.constant 0x7F800000 : f32
    %broadcast_in_dim3A_59 = vector.broadcast %jit3A : f32 to vector<512x512xf32>
    %select_n3A_60 = arith.select %eq3A_58, %broadcast_in_dim3A_59, %min3A_42 : vector<512x512xi1>, vector<512x512xf32>
    %reduce_min3A_61 = arith.constant dense<0x7F800000> : vector<512xf32>
    %reduce_min3A_62 = vector.multi_reduction <minimumf>, %select_n3A_60, %reduce_min3A_61 [1] : vector<512x512xf32> to vector<512xf32>
    %broadcast_in_dim3A_63 = vector.shape_cast %reduce_min3A_62 : vector<512xf32> to vector<512x1xf32>
    %bitcast_convert_type3A_64 = tpu.bitcast %broadcast_in_dim3A_63 : vector<512x1xf32> -> vector<512x1xi32>
    %and3A_65 = arith.constant 4095 : i32
    %and3A_66 = vector.broadcast %and3A_65 : i32 to vector<512x1xi32>
    %and3A_67 = arith.andi %bitcast_convert_type3A_64, %and3A_66 : vector<512x1xi32>
    %gt3A = vector.broadcast %bitcast_convert_type3A_46 : f32 to vector<512x1xf32>
    %gt3A_68 = arith.cmpf ogt, %broadcast_in_dim3A_63, %gt3A : vector<512x1xf32>
    %select_n3A_69 = arith.select %gt3A_68, %and3A_52, %and3A_67 : vector<512x1xi1>, vector<512x1xi32>
    %eq3A_70 = arith.constant 1 : i32
    %eq3A_71 = vector.broadcast %eq3A_70 : i32 to vector<512x16xi32>
    %eq3A_72 = arith.cmpi eq, %iota3A_23, %eq3A_71 : vector<512x16xi32>
    %broadcast_in_dim3A_73 = vector.shape_cast %select_n3A_69 : vector<512x1xi32> to vector<512x1xi32>
    %broadcast_in_dim3A_74 = vector.broadcast %broadcast_in_dim3A_73 : vector<512x1xi32> to vector<512x16xi32>
    %select_n3A_75 = arith.select %eq3A_72, %broadcast_in_dim3A_74, %select_n3A : vector<512x16xi1>, vector<512x16xi32>
    %eq3A_76 = vector.broadcast %broadcast_in_dim3A_63 : vector<512x1xf32> to vector<512x512xf32>
    %eq3A_77 = arith.cmpf oeq, %select_n3A_60, %eq3A_76 : vector<512x512xf32>
    %jit3A_78 = arith.constant 0x7F800000 : f32
    %broadcast_in_dim3A_79 = vector.broadcast %jit3A_78 : f32 to vector<512x512xf32>
    %select_n3A_80 = arith.select %eq3A_77, %broadcast_in_dim3A_79, %select_n3A_60 : vector<512x512xi1>, vector<512x512xf32>
    %reduce_min3A_81 = arith.constant dense<0x7F800000> : vector<512xf32>
    %reduce_min3A_82 = vector.multi_reduction <minimumf>, %select_n3A_80, %reduce_min3A_81 [1] : vector<512x512xf32> to vector<512xf32>
    %broadcast_in_dim3A_83 = vector.shape_cast %reduce_min3A_82 : vector<512xf32> to vector<512x1xf32>
    %bitcast_convert_type3A_84 = tpu.bitcast %broadcast_in_dim3A_83 : vector<512x1xf32> -> vector<512x1xi32>
    %and3A_85 = arith.constant 4095 : i32
    %and3A_86 = vector.broadcast %and3A_85 : i32 to vector<512x1xi32>
    %and3A_87 = arith.andi %bitcast_convert_type3A_84, %and3A_86 : vector<512x1xi32>
    %gt3A_88 = vector.broadcast %bitcast_convert_type3A_46 : f32 to vector<512x1xf32>
    %gt3A_89 = arith.cmpf ogt, %broadcast_in_dim3A_83, %gt3A_88 : vector<512x1xf32>
    %select_n3A_90 = arith.select %gt3A_89, %and3A_52, %and3A_87 : vector<512x1xi1>, vector<512x1xi32>
    %eq3A_91 = arith.constant 2 : i32
    %eq3A_92 = vector.broadcast %eq3A_91 : i32 to vector<512x16xi32>
    %eq3A_93 = arith.cmpi eq, %iota3A_23, %eq3A_92 : vector<512x16xi32>
    %broadcast_in_dim3A_94 = vector.shape_cast %select_n3A_90 : vector<512x1xi32> to vector<512x1xi32>
    %broadcast_in_dim3A_95 = vector.broadcast %broadcast_in_dim3A_94 : vector<512x1xi32> to vector<512x16xi32>
    %select_n3A_96 = arith.select %eq3A_93, %broadcast_in_dim3A_95, %select_n3A_75 : vector<512x16xi1>, vector<512x16xi32>
    %eq3A_97 = vector.broadcast %broadcast_in_dim3A_83 : vector<512x1xf32> to vector<512x512xf32>
    %eq3A_98 = arith.cmpf oeq, %select_n3A_80, %eq3A_97 : vector<512x512xf32>
    %jit3A_99 = arith.constant 0x7F800000 : f32
    %broadcast_in_dim3A_100 = vector.broadcast %jit3A_99 : f32 to vector<512x512xf32>
    %select_n3A_101 = arith.select %eq3A_98, %broadcast_in_dim3A_100, %select_n3A_80 : vector<512x512xi1>, vector<512x512xf32>
    %reduce_min3A_102 = arith.constant dense<0x7F800000> : vector<512xf32>
    %reduce_min3A_103 = vector.multi_reduction <minimumf>, %select_n3A_101, %reduce_min3A_102 [1] : vector<512x512xf32> to vector<512xf32>
    %broadcast_in_dim3A_104 = vector.shape_cast %reduce_min3A_103 : vector<512xf32> to vector<512x1xf32>
    %bitcast_convert_type3A_105 = tpu.bitcast %broadcast_in_dim3A_104 : vector<512x1xf32> -> vector<512x1xi32>
    %and3A_106 = arith.constant 4095 : i32
    %and3A_107 = vector.broadcast %and3A_106 : i32 to vector<512x1xi32>
    %and3A_108 = arith.andi %bitcast_convert_type3A_105, %and3A_107 : vector<512x1xi32>
    %gt3A_109 = vector.broadcast %bitcast_convert_type3A_46 : f32 to vector<512x1xf32>
    %gt3A_110 = arith.cmpf ogt, %broadcast_in_dim3A_104, %gt3A_109 : vector<512x1xf32>
    %select_n3A_111 = arith.select %gt3A_110, %and3A_52, %and3A_108 : vector<512x1xi1>, vector<512x1xi32>
    %eq3A_112 = arith.constant 3 : i32
    %eq3A_113 = vector.broadcast %eq3A_112 : i32 to vector<512x16xi32>
    %eq3A_114 = arith.cmpi eq, %iota3A_23, %eq3A_113 : vector<512x16xi32>
    %broadcast_in_dim3A_115 = vector.shape_cast %select_n3A_111 : vector<512x1xi32> to vector<512x1xi32>
    %broadcast_in_dim3A_116 = vector.broadcast %broadcast_in_dim3A_115 : vector<512x1xi32> to vector<512x16xi32>
    %select_n3A_117 = arith.select %eq3A_114, %broadcast_in_dim3A_116, %select_n3A_96 : vector<512x16xi1>, vector<512x16xi32>
    %eq3A_118 = vector.broadcast %broadcast_in_dim3A_104 : vector<512x1xf32> to vector<512x512xf32>
    %eq3A_119 = arith.cmpf oeq, %select_n3A_101, %eq3A_118 : vector<512x512xf32>
    %jit3A_120 = arith.constant 0x7F800000 : f32
    %broadcast_in_dim3A_121 = vector.broadcast %jit3A_120 : f32 to vector<512x512xf32>
    %select_n3A_122 = arith.select %eq3A_119, %broadcast_in_dim3A_121, %select_n3A_101 : vector<512x512xi1>, vector<512x512xf32>
    %reduce_min3A_123 = arith.constant dense<0x7F800000> : vector<512xf32>
    %reduce_min3A_124 = vector.multi_reduction <minimumf>, %select_n3A_122, %reduce_min3A_123 [1] : vector<512x512xf32> to vector<512xf32>
    %broadcast_in_dim3A_125 = vector.shape_cast %reduce_min3A_124 : vector<512xf32> to vector<512x1xf32>
    %bitcast_convert_type3A_126 = tpu.bitcast %broadcast_in_dim3A_125 : vector<512x1xf32> -> vector<512x1xi32>
    %and3A_127 = arith.constant 4095 : i32
    %and3A_128 = vector.broadcast %and3A_127 : i32 to vector<512x1xi32>
    %and3A_129 = arith.andi %bitcast_convert_type3A_126, %and3A_128 : vector<512x1xi32>
    %gt3A_130 = vector.broadcast %bitcast_convert_type3A_46 : f32 to vector<512x1xf32>
    %gt3A_131 = arith.cmpf ogt, %broadcast_in_dim3A_125, %gt3A_130 : vector<512x1xf32>
    %select_n3A_132 = arith.select %gt3A_131, %and3A_52, %and3A_129 : vector<512x1xi1>, vector<512x1xi32>
    %eq3A_133 = arith.constant 4 : i32
    %eq3A_134 = vector.broadcast %eq3A_133 : i32 to vector<512x16xi32>
    %eq3A_135 = arith.cmpi eq, %iota3A_23, %eq3A_134 : vector<512x16xi32>
    %broadcast_in_dim3A_136 = vector.shape_cast %select_n3A_132 : vector<512x1xi32> to vector<512x1xi32>
    %broadcast_in_dim3A_137 = vector.broadcast %broadcast_in_dim3A_136 : vector<512x1xi32> to vector<512x16xi32>
    %select_n3A_138 = arith.select %eq3A_135, %broadcast_in_dim3A_137, %select_n3A_117 : vector<512x16xi1>, vector<512x16xi32>
    %eq3A_139 = vector.broadcast %broadcast_in_dim3A_125 : vector<512x1xf32> to vector<512x512xf32>
    %eq3A_140 = arith.cmpf oeq, %select_n3A_122, %eq3A_139 : vector<512x512xf32>
    %jit3A_141 = arith.constant 0x7F800000 : f32
    %broadcast_in_dim3A_142 = vector.broadcast %jit3A_141 : f32 to vector<512x512xf32>
    %select_n3A_143 = arith.select %eq3A_140, %broadcast_in_dim3A_142, %select_n3A_122 : vector<512x512xi1>, vector<512x512xf32>
    %reduce_min3A_144 = arith.constant dense<0x7F800000> : vector<512xf32>
    %reduce_min3A_145 = vector.multi_reduction <minimumf>, %select_n3A_143, %reduce_min3A_144 [1] : vector<512x512xf32> to vector<512xf32>
    %broadcast_in_dim3A_146 = vector.shape_cast %reduce_min3A_145 : vector<512xf32> to vector<512x1xf32>
    %bitcast_convert_type3A_147 = tpu.bitcast %broadcast_in_dim3A_146 : vector<512x1xf32> -> vector<512x1xi32>
    %and3A_148 = arith.constant 4095 : i32
    %and3A_149 = vector.broadcast %and3A_148 : i32 to vector<512x1xi32>
    %and3A_150 = arith.andi %bitcast_convert_type3A_147, %and3A_149 : vector<512x1xi32>
    %gt3A_151 = vector.broadcast %bitcast_convert_type3A_46 : f32 to vector<512x1xf32>
    %gt3A_152 = arith.cmpf ogt, %broadcast_in_dim3A_146, %gt3A_151 : vector<512x1xf32>
    %select_n3A_153 = arith.select %gt3A_152, %and3A_52, %and3A_150 : vector<512x1xi1>, vector<512x1xi32>
    %eq3A_154 = arith.constant 5 : i32
    %eq3A_155 = vector.broadcast %eq3A_154 : i32 to vector<512x16xi32>
    %eq3A_156 = arith.cmpi eq, %iota3A_23, %eq3A_155 : vector<512x16xi32>
    %broadcast_in_dim3A_157 = vector.shape_cast %select_n3A_153 : vector<512x1xi32> to vector<512x1xi32>
    %broadcast_in_dim3A_158 = vector.broadcast %broadcast_in_dim3A_157 : vector<512x1xi32> to vector<512x16xi32>
    %select_n3A_159 = arith.select %eq3A_156, %broadcast_in_dim3A_158, %select_n3A_138 : vector<512x16xi1>, vector<512x16xi32>
    %eq3A_160 = vector.broadcast %broadcast_in_dim3A_146 : vector<512x1xf32> to vector<512x512xf32>
    %eq3A_161 = arith.cmpf oeq, %select_n3A_143, %eq3A_160 : vector<512x512xf32>
    %jit3A_162 = arith.constant 0x7F800000 : f32
    %broadcast_in_dim3A_163 = vector.broadcast %jit3A_162 : f32 to vector<512x512xf32>
    %select_n3A_164 = arith.select %eq3A_161, %broadcast_in_dim3A_163, %select_n3A_143 : vector<512x512xi1>, vector<512x512xf32>
    %reduce_min3A_165 = arith.constant dense<0x7F800000> : vector<512xf32>
    %reduce_min3A_166 = vector.multi_reduction <minimumf>, %select_n3A_164, %reduce_min3A_165 [1] : vector<512x512xf32> to vector<512xf32>
    %broadcast_in_dim3A_167 = vector.shape_cast %reduce_min3A_166 : vector<512xf32> to vector<512x1xf32>
    %bitcast_convert_type3A_168 = tpu.bitcast %broadcast_in_dim3A_167 : vector<512x1xf32> -> vector<512x1xi32>
    %and3A_169 = arith.constant 4095 : i32
    %and3A_170 = vector.broadcast %and3A_169 : i32 to vector<512x1xi32>
    %and3A_171 = arith.andi %bitcast_convert_type3A_168, %and3A_170 : vector<512x1xi32>
    %gt3A_172 = vector.broadcast %bitcast_convert_type3A_46 : f32 to vector<512x1xf32>
    %gt3A_173 = arith.cmpf ogt, %broadcast_in_dim3A_167, %gt3A_172 : vector<512x1xf32>
    %select_n3A_174 = arith.select %gt3A_173, %and3A_52, %and3A_171 : vector<512x1xi1>, vector<512x1xi32>
    %eq3A_175 = arith.constant 6 : i32
    %eq3A_176 = vector.broadcast %eq3A_175 : i32 to vector<512x16xi32>
    %eq3A_177 = arith.cmpi eq, %iota3A_23, %eq3A_176 : vector<512x16xi32>
    %broadcast_in_dim3A_178 = vector.shape_cast %select_n3A_174 : vector<512x1xi32> to vector<512x1xi32>
    %broadcast_in_dim3A_179 = vector.broadcast %broadcast_in_dim3A_178 : vector<512x1xi32> to vector<512x16xi32>
    %select_n3A_180 = arith.select %eq3A_177, %broadcast_in_dim3A_179, %select_n3A_159 : vector<512x16xi1>, vector<512x16xi32>
    %eq3A_181 = vector.broadcast %broadcast_in_dim3A_167 : vector<512x1xf32> to vector<512x512xf32>
    %eq3A_182 = arith.cmpf oeq, %select_n3A_164, %eq3A_181 : vector<512x512xf32>
    %jit3A_183 = arith.constant 0x7F800000 : f32
    %broadcast_in_dim3A_184 = vector.broadcast %jit3A_183 : f32 to vector<512x512xf32>
    %select_n3A_185 = arith.select %eq3A_182, %broadcast_in_dim3A_184, %select_n3A_164 : vector<512x512xi1>, vector<512x512xf32>
    %reduce_min3A_186 = arith.constant dense<0x7F800000> : vector<512xf32>
    %reduce_min3A_187 = vector.multi_reduction <minimumf>, %select_n3A_185, %reduce_min3A_186 [1] : vector<512x512xf32> to vector<512xf32>
    %broadcast_in_dim3A_188 = vector.shape_cast %reduce_min3A_187 : vector<512xf32> to vector<512x1xf32>
    %bitcast_convert_type3A_189 = tpu.bitcast %broadcast_in_dim3A_188 : vector<512x1xf32> -> vector<512x1xi32>
    %and3A_190 = arith.constant 4095 : i32
    %and3A_191 = vector.broadcast %and3A_190 : i32 to vector<512x1xi32>
    %and3A_192 = arith.andi %bitcast_convert_type3A_189, %and3A_191 : vector<512x1xi32>
    %gt3A_193 = vector.broadcast %bitcast_convert_type3A_46 : f32 to vector<512x1xf32>
    %gt3A_194 = arith.cmpf ogt, %broadcast_in_dim3A_188, %gt3A_193 : vector<512x1xf32>
    %select_n3A_195 = arith.select %gt3A_194, %and3A_52, %and3A_192 : vector<512x1xi1>, vector<512x1xi32>
    %eq3A_196 = arith.constant 7 : i32
    %eq3A_197 = vector.broadcast %eq3A_196 : i32 to vector<512x16xi32>
    %eq3A_198 = arith.cmpi eq, %iota3A_23, %eq3A_197 : vector<512x16xi32>
    %broadcast_in_dim3A_199 = vector.shape_cast %select_n3A_195 : vector<512x1xi32> to vector<512x1xi32>
    %broadcast_in_dim3A_200 = vector.broadcast %broadcast_in_dim3A_199 : vector<512x1xi32> to vector<512x16xi32>
    %select_n3A_201 = arith.select %eq3A_198, %broadcast_in_dim3A_200, %select_n3A_180 : vector<512x16xi1>, vector<512x16xi32>
    %eq3A_202 = vector.broadcast %broadcast_in_dim3A_188 : vector<512x1xf32> to vector<512x512xf32>
    %eq3A_203 = arith.cmpf oeq, %select_n3A_185, %eq3A_202 : vector<512x512xf32>
    %jit3A_204 = arith.constant 0x7F800000 : f32
    %broadcast_in_dim3A_205 = vector.broadcast %jit3A_204 : f32 to vector<512x512xf32>
    %select_n3A_206 = arith.select %eq3A_203, %broadcast_in_dim3A_205, %select_n3A_185 : vector<512x512xi1>, vector<512x512xf32>
    %reduce_min3A_207 = arith.constant dense<0x7F800000> : vector<512xf32>
    %reduce_min3A_208 = vector.multi_reduction <minimumf>, %select_n3A_206, %reduce_min3A_207 [1] : vector<512x512xf32> to vector<512xf32>
    %broadcast_in_dim3A_209 = vector.shape_cast %reduce_min3A_208 : vector<512xf32> to vector<512x1xf32>
    %bitcast_convert_type3A_210 = tpu.bitcast %broadcast_in_dim3A_209 : vector<512x1xf32> -> vector<512x1xi32>
    %and3A_211 = arith.constant 4095 : i32
    %and3A_212 = vector.broadcast %and3A_211 : i32 to vector<512x1xi32>
    %and3A_213 = arith.andi %bitcast_convert_type3A_210, %and3A_212 : vector<512x1xi32>
    %gt3A_214 = vector.broadcast %bitcast_convert_type3A_46 : f32 to vector<512x1xf32>
    %gt3A_215 = arith.cmpf ogt, %broadcast_in_dim3A_209, %gt3A_214 : vector<512x1xf32>
    %select_n3A_216 = arith.select %gt3A_215, %and3A_52, %and3A_213 : vector<512x1xi1>, vector<512x1xi32>
    %eq3A_217 = arith.constant 8 : i32
    %eq3A_218 = vector.broadcast %eq3A_217 : i32 to vector<512x16xi32>
    %eq3A_219 = arith.cmpi eq, %iota3A_23, %eq3A_218 : vector<512x16xi32>
    %broadcast_in_dim3A_220 = vector.shape_cast %select_n3A_216 : vector<512x1xi32> to vector<512x1xi32>
    %broadcast_in_dim3A_221 = vector.broadcast %broadcast_in_dim3A_220 : vector<512x1xi32> to vector<512x16xi32>
    %select_n3A_222 = arith.select %eq3A_219, %broadcast_in_dim3A_221, %select_n3A_201 : vector<512x16xi1>, vector<512x16xi32>
    %eq3A_223 = vector.broadcast %broadcast_in_dim3A_209 : vector<512x1xf32> to vector<512x512xf32>
    %eq3A_224 = arith.cmpf oeq, %select_n3A_206, %eq3A_223 : vector<512x512xf32>
    %jit3A_225 = arith.constant 0x7F800000 : f32
    %broadcast_in_dim3A_226 = vector.broadcast %jit3A_225 : f32 to vector<512x512xf32>
    %select_n3A_227 = arith.select %eq3A_224, %broadcast_in_dim3A_226, %select_n3A_206 : vector<512x512xi1>, vector<512x512xf32>
    %reduce_min3A_228 = arith.constant dense<0x7F800000> : vector<512xf32>
    %reduce_min3A_229 = vector.multi_reduction <minimumf>, %select_n3A_227, %reduce_min3A_228 [1] : vector<512x512xf32> to vector<512xf32>
    %broadcast_in_dim3A_230 = vector.shape_cast %reduce_min3A_229 : vector<512xf32> to vector<512x1xf32>
    %bitcast_convert_type3A_231 = tpu.bitcast %broadcast_in_dim3A_230 : vector<512x1xf32> -> vector<512x1xi32>
    %and3A_232 = arith.constant 4095 : i32
    %and3A_233 = vector.broadcast %and3A_232 : i32 to vector<512x1xi32>
    %and3A_234 = arith.andi %bitcast_convert_type3A_231, %and3A_233 : vector<512x1xi32>
    %gt3A_235 = vector.broadcast %bitcast_convert_type3A_46 : f32 to vector<512x1xf32>
    %gt3A_236 = arith.cmpf ogt, %broadcast_in_dim3A_230, %gt3A_235 : vector<512x1xf32>
    %select_n3A_237 = arith.select %gt3A_236, %and3A_52, %and3A_234 : vector<512x1xi1>, vector<512x1xi32>
    %eq3A_238 = arith.constant 9 : i32
    %eq3A_239 = vector.broadcast %eq3A_238 : i32 to vector<512x16xi32>
    %eq3A_240 = arith.cmpi eq, %iota3A_23, %eq3A_239 : vector<512x16xi32>
    %broadcast_in_dim3A_241 = vector.shape_cast %select_n3A_237 : vector<512x1xi32> to vector<512x1xi32>
    %broadcast_in_dim3A_242 = vector.broadcast %broadcast_in_dim3A_241 : vector<512x1xi32> to vector<512x16xi32>
    %select_n3A_243 = arith.select %eq3A_240, %broadcast_in_dim3A_242, %select_n3A_222 : vector<512x16xi1>, vector<512x16xi32>
    %eq3A_244 = vector.broadcast %broadcast_in_dim3A_230 : vector<512x1xf32> to vector<512x512xf32>
    %eq3A_245 = arith.cmpf oeq, %select_n3A_227, %eq3A_244 : vector<512x512xf32>
    %jit3A_246 = arith.constant 0x7F800000 : f32
    %broadcast_in_dim3A_247 = vector.broadcast %jit3A_246 : f32 to vector<512x512xf32>
    %select_n3A_248 = arith.select %eq3A_245, %broadcast_in_dim3A_247, %select_n3A_227 : vector<512x512xi1>, vector<512x512xf32>
    %reduce_min3A_249 = arith.constant dense<0x7F800000> : vector<512xf32>
    %reduce_min3A_250 = vector.multi_reduction <minimumf>, %select_n3A_248, %reduce_min3A_249 [1] : vector<512x512xf32> to vector<512xf32>
    %broadcast_in_dim3A_251 = vector.shape_cast %reduce_min3A_250 : vector<512xf32> to vector<512x1xf32>
    %bitcast_convert_type3A_252 = tpu.bitcast %broadcast_in_dim3A_251 : vector<512x1xf32> -> vector<512x1xi32>
    %and3A_253 = arith.constant 4095 : i32
    %and3A_254 = vector.broadcast %and3A_253 : i32 to vector<512x1xi32>
    %and3A_255 = arith.andi %bitcast_convert_type3A_252, %and3A_254 : vector<512x1xi32>
    %gt3A_256 = vector.broadcast %bitcast_convert_type3A_46 : f32 to vector<512x1xf32>
    %gt3A_257 = arith.cmpf ogt, %broadcast_in_dim3A_251, %gt3A_256 : vector<512x1xf32>
    %select_n3A_258 = arith.select %gt3A_257, %and3A_52, %and3A_255 : vector<512x1xi1>, vector<512x1xi32>
    %eq3A_259 = arith.constant 10 : i32
    %eq3A_260 = vector.broadcast %eq3A_259 : i32 to vector<512x16xi32>
    %eq3A_261 = arith.cmpi eq, %iota3A_23, %eq3A_260 : vector<512x16xi32>
    %broadcast_in_dim3A_262 = vector.shape_cast %select_n3A_258 : vector<512x1xi32> to vector<512x1xi32>
    %broadcast_in_dim3A_263 = vector.broadcast %broadcast_in_dim3A_262 : vector<512x1xi32> to vector<512x16xi32>
    %select_n3A_264 = arith.select %eq3A_261, %broadcast_in_dim3A_263, %select_n3A_243 : vector<512x16xi1>, vector<512x16xi32>
    %eq3A_265 = vector.broadcast %broadcast_in_dim3A_251 : vector<512x1xf32> to vector<512x512xf32>
    %eq3A_266 = arith.cmpf oeq, %select_n3A_248, %eq3A_265 : vector<512x512xf32>
    %jit3A_267 = arith.constant 0x7F800000 : f32
    %broadcast_in_dim3A_268 = vector.broadcast %jit3A_267 : f32 to vector<512x512xf32>
    %select_n3A_269 = arith.select %eq3A_266, %broadcast_in_dim3A_268, %select_n3A_248 : vector<512x512xi1>, vector<512x512xf32>
    %reduce_min3A_270 = arith.constant dense<0x7F800000> : vector<512xf32>
    %reduce_min3A_271 = vector.multi_reduction <minimumf>, %select_n3A_269, %reduce_min3A_270 [1] : vector<512x512xf32> to vector<512xf32>
    %broadcast_in_dim3A_272 = vector.shape_cast %reduce_min3A_271 : vector<512xf32> to vector<512x1xf32>
    %bitcast_convert_type3A_273 = tpu.bitcast %broadcast_in_dim3A_272 : vector<512x1xf32> -> vector<512x1xi32>
    %and3A_274 = arith.constant 4095 : i32
    %and3A_275 = vector.broadcast %and3A_274 : i32 to vector<512x1xi32>
    %and3A_276 = arith.andi %bitcast_convert_type3A_273, %and3A_275 : vector<512x1xi32>
    %gt3A_277 = vector.broadcast %bitcast_convert_type3A_46 : f32 to vector<512x1xf32>
    %gt3A_278 = arith.cmpf ogt, %broadcast_in_dim3A_272, %gt3A_277 : vector<512x1xf32>
    %select_n3A_279 = arith.select %gt3A_278, %and3A_52, %and3A_276 : vector<512x1xi1>, vector<512x1xi32>
    %eq3A_280 = arith.constant 11 : i32
    %eq3A_281 = vector.broadcast %eq3A_280 : i32 to vector<512x16xi32>
    %eq3A_282 = arith.cmpi eq, %iota3A_23, %eq3A_281 : vector<512x16xi32>
    %broadcast_in_dim3A_283 = vector.shape_cast %select_n3A_279 : vector<512x1xi32> to vector<512x1xi32>
    %broadcast_in_dim3A_284 = vector.broadcast %broadcast_in_dim3A_283 : vector<512x1xi32> to vector<512x16xi32>
    %select_n3A_285 = arith.select %eq3A_282, %broadcast_in_dim3A_284, %select_n3A_264 : vector<512x16xi1>, vector<512x16xi32>
    %eq3A_286 = vector.broadcast %broadcast_in_dim3A_272 : vector<512x1xf32> to vector<512x512xf32>
    %eq3A_287 = arith.cmpf oeq, %select_n3A_269, %eq3A_286 : vector<512x512xf32>
    %jit3A_288 = arith.constant 0x7F800000 : f32
    %broadcast_in_dim3A_289 = vector.broadcast %jit3A_288 : f32 to vector<512x512xf32>
    %select_n3A_290 = arith.select %eq3A_287, %broadcast_in_dim3A_289, %select_n3A_269 : vector<512x512xi1>, vector<512x512xf32>
    %reduce_min3A_291 = arith.constant dense<0x7F800000> : vector<512xf32>
    %reduce_min3A_292 = vector.multi_reduction <minimumf>, %select_n3A_290, %reduce_min3A_291 [1] : vector<512x512xf32> to vector<512xf32>
    %broadcast_in_dim3A_293 = vector.shape_cast %reduce_min3A_292 : vector<512xf32> to vector<512x1xf32>
    %bitcast_convert_type3A_294 = tpu.bitcast %broadcast_in_dim3A_293 : vector<512x1xf32> -> vector<512x1xi32>
    %and3A_295 = arith.constant 4095 : i32
    %and3A_296 = vector.broadcast %and3A_295 : i32 to vector<512x1xi32>
    %and3A_297 = arith.andi %bitcast_convert_type3A_294, %and3A_296 : vector<512x1xi32>
    %gt3A_298 = vector.broadcast %bitcast_convert_type3A_46 : f32 to vector<512x1xf32>
    %gt3A_299 = arith.cmpf ogt, %broadcast_in_dim3A_293, %gt3A_298 : vector<512x1xf32>
    %select_n3A_300 = arith.select %gt3A_299, %and3A_52, %and3A_297 : vector<512x1xi1>, vector<512x1xi32>
    %eq3A_301 = arith.constant 12 : i32
    %eq3A_302 = vector.broadcast %eq3A_301 : i32 to vector<512x16xi32>
    %eq3A_303 = arith.cmpi eq, %iota3A_23, %eq3A_302 : vector<512x16xi32>
    %broadcast_in_dim3A_304 = vector.shape_cast %select_n3A_300 : vector<512x1xi32> to vector<512x1xi32>
    %broadcast_in_dim3A_305 = vector.broadcast %broadcast_in_dim3A_304 : vector<512x1xi32> to vector<512x16xi32>
    %select_n3A_306 = arith.select %eq3A_303, %broadcast_in_dim3A_305, %select_n3A_285 : vector<512x16xi1>, vector<512x16xi32>
    %eq3A_307 = vector.broadcast %broadcast_in_dim3A_293 : vector<512x1xf32> to vector<512x512xf32>
    %eq3A_308 = arith.cmpf oeq, %select_n3A_290, %eq3A_307 : vector<512x512xf32>
    %jit3A_309 = arith.constant 0x7F800000 : f32
    %broadcast_in_dim3A_310 = vector.broadcast %jit3A_309 : f32 to vector<512x512xf32>
    %select_n3A_311 = arith.select %eq3A_308, %broadcast_in_dim3A_310, %select_n3A_290 : vector<512x512xi1>, vector<512x512xf32>
    %reduce_min3A_312 = arith.constant dense<0x7F800000> : vector<512xf32>
    %reduce_min3A_313 = vector.multi_reduction <minimumf>, %select_n3A_311, %reduce_min3A_312 [1] : vector<512x512xf32> to vector<512xf32>
    %broadcast_in_dim3A_314 = vector.shape_cast %reduce_min3A_313 : vector<512xf32> to vector<512x1xf32>
    %bitcast_convert_type3A_315 = tpu.bitcast %broadcast_in_dim3A_314 : vector<512x1xf32> -> vector<512x1xi32>
    %and3A_316 = arith.constant 4095 : i32
    %and3A_317 = vector.broadcast %and3A_316 : i32 to vector<512x1xi32>
    %and3A_318 = arith.andi %bitcast_convert_type3A_315, %and3A_317 : vector<512x1xi32>
    %gt3A_319 = vector.broadcast %bitcast_convert_type3A_46 : f32 to vector<512x1xf32>
    %gt3A_320 = arith.cmpf ogt, %broadcast_in_dim3A_314, %gt3A_319 : vector<512x1xf32>
    %select_n3A_321 = arith.select %gt3A_320, %and3A_52, %and3A_318 : vector<512x1xi1>, vector<512x1xi32>
    %eq3A_322 = arith.constant 13 : i32
    %eq3A_323 = vector.broadcast %eq3A_322 : i32 to vector<512x16xi32>
    %eq3A_324 = arith.cmpi eq, %iota3A_23, %eq3A_323 : vector<512x16xi32>
    %broadcast_in_dim3A_325 = vector.shape_cast %select_n3A_321 : vector<512x1xi32> to vector<512x1xi32>
    %broadcast_in_dim3A_326 = vector.broadcast %broadcast_in_dim3A_325 : vector<512x1xi32> to vector<512x16xi32>
    %select_n3A_327 = arith.select %eq3A_324, %broadcast_in_dim3A_326, %select_n3A_306 : vector<512x16xi1>, vector<512x16xi32>
    %eq3A_328 = vector.broadcast %broadcast_in_dim3A_314 : vector<512x1xf32> to vector<512x512xf32>
    %eq3A_329 = arith.cmpf oeq, %select_n3A_311, %eq3A_328 : vector<512x512xf32>
    %jit3A_330 = arith.constant 0x7F800000 : f32
    %broadcast_in_dim3A_331 = vector.broadcast %jit3A_330 : f32 to vector<512x512xf32>
    %select_n3A_332 = arith.select %eq3A_329, %broadcast_in_dim3A_331, %select_n3A_311 : vector<512x512xi1>, vector<512x512xf32>
    %reduce_min3A_333 = arith.constant dense<0x7F800000> : vector<512xf32>
    %reduce_min3A_334 = vector.multi_reduction <minimumf>, %select_n3A_332, %reduce_min3A_333 [1] : vector<512x512xf32> to vector<512xf32>
    %broadcast_in_dim3A_335 = vector.shape_cast %reduce_min3A_334 : vector<512xf32> to vector<512x1xf32>
    %bitcast_convert_type3A_336 = tpu.bitcast %broadcast_in_dim3A_335 : vector<512x1xf32> -> vector<512x1xi32>
    %and3A_337 = arith.constant 4095 : i32
    %and3A_338 = vector.broadcast %and3A_337 : i32 to vector<512x1xi32>
    %and3A_339 = arith.andi %bitcast_convert_type3A_336, %and3A_338 : vector<512x1xi32>
    %gt3A_340 = vector.broadcast %bitcast_convert_type3A_46 : f32 to vector<512x1xf32>
    %gt3A_341 = arith.cmpf ogt, %broadcast_in_dim3A_335, %gt3A_340 : vector<512x1xf32>
    %select_n3A_342 = arith.select %gt3A_341, %and3A_52, %and3A_339 : vector<512x1xi1>, vector<512x1xi32>
    %eq3A_343 = arith.constant 14 : i32
    %eq3A_344 = vector.broadcast %eq3A_343 : i32 to vector<512x16xi32>
    %eq3A_345 = arith.cmpi eq, %iota3A_23, %eq3A_344 : vector<512x16xi32>
    %broadcast_in_dim3A_346 = vector.shape_cast %select_n3A_342 : vector<512x1xi32> to vector<512x1xi32>
    %broadcast_in_dim3A_347 = vector.broadcast %broadcast_in_dim3A_346 : vector<512x1xi32> to vector<512x16xi32>
    %select_n3A_348 = arith.select %eq3A_345, %broadcast_in_dim3A_347, %select_n3A_327 : vector<512x16xi1>, vector<512x16xi32>
    %eq3A_349 = vector.broadcast %broadcast_in_dim3A_335 : vector<512x1xf32> to vector<512x512xf32>
    %eq3A_350 = arith.cmpf oeq, %select_n3A_332, %eq3A_349 : vector<512x512xf32>
    %jit3A_351 = arith.constant 0x7F800000 : f32
    %broadcast_in_dim3A_352 = vector.broadcast %jit3A_351 : f32 to vector<512x512xf32>
    %select_n3A_353 = arith.select %eq3A_350, %broadcast_in_dim3A_352, %select_n3A_332 : vector<512x512xi1>, vector<512x512xf32>
    %reduce_min3A_354 = arith.constant dense<0x7F800000> : vector<512xf32>
    %reduce_min3A_355 = vector.multi_reduction <minimumf>, %select_n3A_353, %reduce_min3A_354 [1] : vector<512x512xf32> to vector<512xf32>
    %broadcast_in_dim3A_356 = vector.shape_cast %reduce_min3A_355 : vector<512xf32> to vector<512x1xf32>
    %bitcast_convert_type3A_357 = tpu.bitcast %broadcast_in_dim3A_356 : vector<512x1xf32> -> vector<512x1xi32>
    %and3A_358 = arith.constant 4095 : i32
    %and3A_359 = vector.broadcast %and3A_358 : i32 to vector<512x1xi32>
    %and3A_360 = arith.andi %bitcast_convert_type3A_357, %and3A_359 : vector<512x1xi32>
    %gt3A_361 = vector.broadcast %bitcast_convert_type3A_46 : f32 to vector<512x1xf32>
    %gt3A_362 = arith.cmpf ogt, %broadcast_in_dim3A_356, %gt3A_361 : vector<512x1xf32>
    %select_n3A_363 = arith.select %gt3A_362, %and3A_52, %and3A_360 : vector<512x1xi1>, vector<512x1xi32>
    %eq3A_364 = arith.constant 15 : i32
    %eq3A_365 = vector.broadcast %eq3A_364 : i32 to vector<512x16xi32>
    %eq3A_366 = arith.cmpi eq, %iota3A_23, %eq3A_365 : vector<512x16xi32>
    %broadcast_in_dim3A_367 = vector.shape_cast %select_n3A_363 : vector<512x1xi32> to vector<512x1xi32>
    %broadcast_in_dim3A_368 = vector.broadcast %broadcast_in_dim3A_367 : vector<512x1xi32> to vector<512x16xi32>
    %select_n3A_369 = arith.select %eq3A_366, %broadcast_in_dim3A_368, %select_n3A_348 : vector<512x16xi1>, vector<512x16xi32>
    %swap3A = arith.constant 0 : index
    %swap3A_370 = arith.constant 0 : index
    %swap3A_371 = arith.constant 0 : index
    %swap3A_372 = vector.load %arg4[%swap3A, %swap3A_370, %swap3A_371] : memref<1x512x16xi32, #tpu.memory_space<vmem>>, vector<1x512x16xi32>
    %swap3A_373 = vector.shape_cast %swap3A_372 : vector<1x512x16xi32> to vector<512x16xi32>
    %swap3A_374 = vector.shape_cast %select_n3A_369 : vector<512x16xi32> to vector<1x512x16xi32>
    tpu.vector_store %arg4[%swap3A, %swap3A_370, %swap3A_371], %swap3A_374 {strides = array<i32>} : memref<1x512x16xi32, #tpu.memory_space<vmem>>, vector<1x512x16xi32>,
    %slice3A_375 = vector.extract_strided_slice %max3A_22 {offsets = [0, 0], sizes = [512, 512], strides = [1, 1]} : vector<512x4096xf32> to vector<512x512xf32>
    %lt3A = arith.constant 5.625000e-01 : f32
    %lt3A_376 = vector.broadcast %lt3A : f32 to vector<512x512xf32>
    %lt3A_377 = arith.cmpf olt, %slice3A_375, %lt3A_376 : vector<512x512xf32>
    %slice3A_378 = vector.extract_strided_slice %iota3A {offsets = [0, 0], sizes = [512, 512], strides = [1, 1]} : vector<512x4096xi32> to vector<512x512xi32>
    %convert_element_type3A = arith.sitofp %slice3A_378 : vector<512x512xi32> to vector<512x512xf32>
    %jit3A_379 = arith.constant 4.096000e+03 : f32
    %broadcast_in_dim3A_380 = vector.broadcast %jit3A_379 : f32 to vector<512x512xf32>
    %select_n3A_381 = arith.select %lt3A_377, %convert_element_type3A, %broadcast_in_dim3A_380 : vector<512x512xi1>, vector<512x512xf32>
    %slice3A_382 = vector.extract_strided_slice %select_n3A_381 {offsets = [0, 0], sizes = [512, 128], strides = [1, 1]} : vector<512x512xf32> to vector<512x128xf32>
    %slice3A_383 = vector.extract_strided_slice %select_n3A_381 {offsets = [0, 128], sizes = [512, 128], strides = [1, 1]} : vector<512x512xf32> to vector<512x128xf32>
    %min3A_384 = arith.minimumf %slice3A_382, %slice3A_383 : vector<512x128xf32>
    %slice3A_385 = vector.extract_strided_slice %select_n3A_381 {offsets = [0, 256], sizes = [512, 128], strides = [1, 1]} : vector<512x512xf32> to vector<512x128xf32>
    %min3A_386 = arith.minimumf %min3A_384, %slice3A_385 : vector<512x128xf32>
    %slice3A_387 = vector.extract_strided_slice %select_n3A_381 {offsets = [0, 384], sizes = [512, 128], strides = [1, 1]} : vector<512x512xf32> to vector<512x128xf32>
    %min3A_388 = arith.minimumf %min3A_386, %slice3A_387 : vector<512x128xf32>
    %lt3A_389 = arith.constant 4.096000e+03 : f32
    %lt3A_390 = vector.broadcast %lt3A_389 : f32 to vector<512x128xf32>
    %lt3A_391 = arith.cmpf olt, %min3A_388, %lt3A_390 : vector<512x128xf32>
    %jit3A_392 = arith.constant 1.000000e+00 : f32
    %jit3A_393 = arith.constant 0.000000e+00 : f32
    %broadcast_in_dim3A_394 = vector.broadcast %jit3A_392 : f32 to vector<512x128xf32>
    %broadcast_in_dim3A_395 = vector.broadcast %jit3A_393 : f32 to vector<512x128xf32>
    %select_n3A_396 = arith.select %lt3A_391, %broadcast_in_dim3A_394, %broadcast_in_dim3A_395 : vector<512x128xi1>, vector<512x128xf32>
    %reduce_sum3A_397 = arith.constant dense<0.000000e+00> : vector<512xf32>
    %reduce_sum3A_398 = vector.multi_reduction <add>, %select_n3A_396, %reduce_sum3A_397 [1] : vector<512x128xf32> to vector<512xf32>
    %broadcast_in_dim3A_399 = vector.shape_cast %reduce_sum3A_398 : vector<512xf32> to vector<512x1xf32>
    %reduce_min3A_400 = vector.shape_cast %broadcast_in_dim3A_399 : vector<512x1xf32> to vector<1x512x1xf32>
    %reduce_min3A_401 = arith.constant dense<0x7F800000> : vector<1xf32>
    %reduce_min3A_402 = vector.multi_reduction <minimumf>, %reduce_min3A_400, %reduce_min3A_401 [1, 2] : vector<1x512x1xf32> to vector<1xf32>
    %reduce_min3A_403 = vector.shape_cast %reduce_min3A_402 : vector<1xf32> to vector<1x1x1xf32>
    %reduce_min3A_404 = vector.extract %reduce_min3A_403[0, 0, 0] : f32 from vector<1x1x1xf32>
    %ge3A = arith.constant 1.600000e+01 : f32
    %ge3A_405 = arith.cmpf oge, %reduce_min3A_404, %ge3A : f32
    %convert_element_type3A_406 = arith.extui %ge3A_405 : i1 to i32
    %cond3A = arith.constant 4.096000e+03 : f32
    %cond3A_407 = arith.constant 0 : i32
    %cond3A_408 = arith.cmpi ne, %convert_element_type3A_406, %cond3A_407 : i32
    %cond3A_409 = scf.if %cond3A_408 -> (vector<512x16xi32>) {
      %broadcast_in_dim3A_416 = arith.constant 0.000000e+00 : f32
      %broadcast_in_dim3A_417 = vector.broadcast %broadcast_in_dim3A_416 : f32 to vector<512x16xf32>
      %reduce_min3A_418 = arith.constant dense<0x7F800000> : vector<512xf32>
      %reduce_min3A_419 = vector.multi_reduction <minimumf>, %min3A_388, %reduce_min3A_418 [1] : vector<512x128xf32> to vector<512xf32>
      %broadcast_in_dim3A_420 = vector.shape_cast %reduce_min3A_419 : vector<512xf32> to vector<512x1xf32>
      %eq3A_421 = arith.constant 0 : i32
      %eq3A_422 = vector.broadcast %eq3A_421 : i32 to vector<512x16xi32>
      %eq3A_423 = arith.cmpi eq, %iota3A_23, %eq3A_422 : vector<512x16xi32>
      %broadcast_in_dim3A_424 = vector.shape_cast %broadcast_in_dim3A_420 : vector<512x1xf32> to vector<512x1xf32>
      %broadcast_in_dim3A_425 = vector.broadcast %broadcast_in_dim3A_424 : vector<512x1xf32> to vector<512x16xf32>
      %select_n3A_426 = arith.select %eq3A_423, %broadcast_in_dim3A_425, %broadcast_in_dim3A_417 : vector<512x16xi1>, vector<512x16xf32>
      %eq3A_427 = vector.broadcast %broadcast_in_dim3A_420 : vector<512x1xf32> to vector<512x128xf32>
      %eq3A_428 = arith.cmpf oeq, %min3A_388, %eq3A_427 : vector<512x128xf32>
      %broadcast_in_dim3A_429 = vector.broadcast %cond3A : f32 to vector<512x128xf32>
      %select_n3A_430 = arith.select %eq3A_428, %broadcast_in_dim3A_429, %min3A_388 : vector<512x128xi1>, vector<512x128xf32>
      %reduce_min3A_431 = arith.constant dense<0x7F800000> : vector<512xf32>
      %reduce_min3A_432 = vector.multi_reduction <minimumf>, %select_n3A_430, %reduce_min3A_431 [1] : vector<512x128xf32> to vector<512xf32>
      %broadcast_in_dim3A_433 = vector.shape_cast %reduce_min3A_432 : vector<512xf32> to vector<512x1xf32>
      %eq3A_434 = arith.constant 1 : i32
      %eq3A_435 = vector.broadcast %eq3A_434 : i32 to vector<512x16xi32>
      %eq3A_436 = arith.cmpi eq, %iota3A_23, %eq3A_435 : vector<512x16xi32>
      %broadcast_in_dim3A_437 = vector.shape_cast %broadcast_in_dim3A_433 : vector<512x1xf32> to vector<512x1xf32>
      %broadcast_in_dim3A_438 = vector.broadcast %broadcast_in_dim3A_437 : vector<512x1xf32> to vector<512x16xf32>
      %select_n3A_439 = arith.select %eq3A_436, %broadcast_in_dim3A_438, %select_n3A_426 : vector<512x16xi1>, vector<512x16xf32>
      %eq3A_440 = vector.broadcast %broadcast_in_dim3A_433 : vector<512x1xf32> to vector<512x128xf32>
      %eq3A_441 = arith.cmpf oeq, %select_n3A_430, %eq3A_440 : vector<512x128xf32>
      %broadcast_in_dim3A_442 = vector.broadcast %cond3A : f32 to vector<512x128xf32>
      %select_n3A_443 = arith.select %eq3A_441, %broadcast_in_dim3A_442, %select_n3A_430 : vector<512x128xi1>, vector<512x128xf32>
      %reduce_min3A_444 = arith.constant dense<0x7F800000> : vector<512xf32>
      %reduce_min3A_445 = vector.multi_reduction <minimumf>, %select_n3A_443, %reduce_min3A_444 [1] : vector<512x128xf32> to vector<512xf32>
      %broadcast_in_dim3A_446 = vector.shape_cast %reduce_min3A_445 : vector<512xf32> to vector<512x1xf32>
      %eq3A_447 = arith.constant 2 : i32
      %eq3A_448 = vector.broadcast %eq3A_447 : i32 to vector<512x16xi32>
      %eq3A_449 = arith.cmpi eq, %iota3A_23, %eq3A_448 : vector<512x16xi32>
      %broadcast_in_dim3A_450 = vector.shape_cast %broadcast_in_dim3A_446 : vector<512x1xf32> to vector<512x1xf32>
      %broadcast_in_dim3A_451 = vector.broadcast %broadcast_in_dim3A_450 : vector<512x1xf32> to vector<512x16xf32>
      %select_n3A_452 = arith.select %eq3A_449, %broadcast_in_dim3A_451, %select_n3A_439 : vector<512x16xi1>, vector<512x16xf32>
      %eq3A_453 = vector.broadcast %broadcast_in_dim3A_446 : vector<512x1xf32> to vector<512x128xf32>
      %eq3A_454 = arith.cmpf oeq, %select_n3A_443, %eq3A_453 : vector<512x128xf32>
      %broadcast_in_dim3A_455 = vector.broadcast %cond3A : f32 to vector<512x128xf32>
      %select_n3A_456 = arith.select %eq3A_454, %broadcast_in_dim3A_455, %select_n3A_443 : vector<512x128xi1>, vector<512x128xf32>
      %reduce_min3A_457 = arith.constant dense<0x7F800000> : vector<512xf32>
      %reduce_min3A_458 = vector.multi_reduction <minimumf>, %select_n3A_456, %reduce_min3A_457 [1] : vector<512x128xf32> to vector<512xf32>
      %broadcast_in_dim3A_459 = vector.shape_cast %reduce_min3A_458 : vector<512xf32> to vector<512x1xf32>
      %eq3A_460 = arith.constant 3 : i32
      %eq3A_461 = vector.broadcast %eq3A_460 : i32 to vector<512x16xi32>
      %eq3A_462 = arith.cmpi eq, %iota3A_23, %eq3A_461 : vector<512x16xi32>
      %broadcast_in_dim3A_463 = vector.shape_cast %broadcast_in_dim3A_459 : vector<512x1xf32> to vector<512x1xf32>
      %broadcast_in_dim3A_464 = vector.broadcast %broadcast_in_dim3A_463 : vector<512x1xf32> to vector<512x16xf32>
      %select_n3A_465 = arith.select %eq3A_462, %broadcast_in_dim3A_464, %select_n3A_452 : vector<512x16xi1>, vector<512x16xf32>
      %eq3A_466 = vector.broadcast %broadcast_in_dim3A_459 : vector<512x1xf32> to vector<512x128xf32>
      %eq3A_467 = arith.cmpf oeq, %select_n3A_456, %eq3A_466 : vector<512x128xf32>
      %broadcast_in_dim3A_468 = vector.broadcast %cond3A : f32 to vector<512x128xf32>
      %select_n3A_469 = arith.select %eq3A_467, %broadcast_in_dim3A_468, %select_n3A_456 : vector<512x128xi1>, vector<512x128xf32>
      %reduce_min3A_470 = arith.constant dense<0x7F800000> : vector<512xf32>
      %reduce_min3A_471 = vector.multi_reduction <minimumf>, %select_n3A_469, %reduce_min3A_470 [1] : vector<512x128xf32> to vector<512xf32>
      %broadcast_in_dim3A_472 = vector.shape_cast %reduce_min3A_471 : vector<512xf32> to vector<512x1xf32>
      %eq3A_473 = arith.constant 4 : i32
      %eq3A_474 = vector.broadcast %eq3A_473 : i32 to vector<512x16xi32>
      %eq3A_475 = arith.cmpi eq, %iota3A_23, %eq3A_474 : vector<512x16xi32>
      %broadcast_in_dim3A_476 = vector.shape_cast %broadcast_in_dim3A_472 : vector<512x1xf32> to vector<512x1xf32>
      %broadcast_in_dim3A_477 = vector.broadcast %broadcast_in_dim3A_476 : vector<512x1xf32> to vector<512x16xf32>
      %select_n3A_478 = arith.select %eq3A_475, %broadcast_in_dim3A_477, %select_n3A_465 : vector<512x16xi1>, vector<512x16xf32>
      %eq3A_479 = vector.broadcast %broadcast_in_dim3A_472 : vector<512x1xf32> to vector<512x128xf32>
      %eq3A_480 = arith.cmpf oeq, %select_n3A_469, %eq3A_479 : vector<512x128xf32>
      %broadcast_in_dim3A_481 = vector.broadcast %cond3A : f32 to vector<512x128xf32>
      %select_n3A_482 = arith.select %eq3A_480, %broadcast_in_dim3A_481, %select_n3A_469 : vector<512x128xi1>, vector<512x128xf32>
      %reduce_min3A_483 = arith.constant dense<0x7F800000> : vector<512xf32>
      %reduce_min3A_484 = vector.multi_reduction <minimumf>, %select_n3A_482, %reduce_min3A_483 [1] : vector<512x128xf32> to vector<512xf32>
      %broadcast_in_dim3A_485 = vector.shape_cast %reduce_min3A_484 : vector<512xf32> to vector<512x1xf32>
      %eq3A_486 = arith.constant 5 : i32
      %eq3A_487 = vector.broadcast %eq3A_486 : i32 to vector<512x16xi32>
      %eq3A_488 = arith.cmpi eq, %iota3A_23, %eq3A_487 : vector<512x16xi32>
      %broadcast_in_dim3A_489 = vector.shape_cast %broadcast_in_dim3A_485 : vector<512x1xf32> to vector<512x1xf32>
      %broadcast_in_dim3A_490 = vector.broadcast %broadcast_in_dim3A_489 : vector<512x1xf32> to vector<512x16xf32>
      %select_n3A_491 = arith.select %eq3A_488, %broadcast_in_dim3A_490, %select_n3A_478 : vector<512x16xi1>, vector<512x16xf32>
      %eq3A_492 = vector.broadcast %broadcast_in_dim3A_485 : vector<512x1xf32> to vector<512x128xf32>
      %eq3A_493 = arith.cmpf oeq, %select_n3A_482, %eq3A_492 : vector<512x128xf32>
      %broadcast_in_dim3A_494 = vector.broadcast %cond3A : f32 to vector<512x128xf32>
      %select_n3A_495 = arith.select %eq3A_493, %broadcast_in_dim3A_494, %select_n3A_482 : vector<512x128xi1>, vector<512x128xf32>
      %reduce_min3A_496 = arith.constant dense<0x7F800000> : vector<512xf32>
      %reduce_min3A_497 = vector.multi_reduction <minimumf>, %select_n3A_495, %reduce_min3A_496 [1] : vector<512x128xf32> to vector<512xf32>
      %broadcast_in_dim3A_498 = vector.shape_cast %reduce_min3A_497 : vector<512xf32> to vector<512x1xf32>
      %eq3A_499 = arith.constant 6 : i32
      %eq3A_500 = vector.broadcast %eq3A_499 : i32 to vector<512x16xi32>
      %eq3A_501 = arith.cmpi eq, %iota3A_23, %eq3A_500 : vector<512x16xi32>
      %broadcast_in_dim3A_502 = vector.shape_cast %broadcast_in_dim3A_498 : vector<512x1xf32> to vector<512x1xf32>
      %broadcast_in_dim3A_503 = vector.broadcast %broadcast_in_dim3A_502 : vector<512x1xf32> to vector<512x16xf32>
      %select_n3A_504 = arith.select %eq3A_501, %broadcast_in_dim3A_503, %select_n3A_491 : vector<512x16xi1>, vector<512x16xf32>
      %eq3A_505 = vector.broadcast %broadcast_in_dim3A_498 : vector<512x1xf32> to vector<512x128xf32>
      %eq3A_506 = arith.cmpf oeq, %select_n3A_495, %eq3A_505 : vector<512x128xf32>
      %broadcast_in_dim3A_507 = vector.broadcast %cond3A : f32 to vector<512x128xf32>
      %select_n3A_508 = arith.select %eq3A_506, %broadcast_in_dim3A_507, %select_n3A_495 : vector<512x128xi1>, vector<512x128xf32>
      %reduce_min3A_509 = arith.constant dense<0x7F800000> : vector<512xf32>
      %reduce_min3A_510 = vector.multi_reduction <minimumf>, %select_n3A_508, %reduce_min3A_509 [1] : vector<512x128xf32> to vector<512xf32>
      %broadcast_in_dim3A_511 = vector.shape_cast %reduce_min3A_510 : vector<512xf32> to vector<512x1xf32>
      %eq3A_512 = arith.constant 7 : i32
      %eq3A_513 = vector.broadcast %eq3A_512 : i32 to vector<512x16xi32>
      %eq3A_514 = arith.cmpi eq, %iota3A_23, %eq3A_513 : vector<512x16xi32>
      %broadcast_in_dim3A_515 = vector.shape_cast %broadcast_in_dim3A_511 : vector<512x1xf32> to vector<512x1xf32>
      %broadcast_in_dim3A_516 = vector.broadcast %broadcast_in_dim3A_515 : vector<512x1xf32> to vector<512x16xf32>
      %select_n3A_517 = arith.select %eq3A_514, %broadcast_in_dim3A_516, %select_n3A_504 : vector<512x16xi1>, vector<512x16xf32>
      %eq3A_518 = vector.broadcast %broadcast_in_dim3A_511 : vector<512x1xf32> to vector<512x128xf32>
      %eq3A_519 = arith.cmpf oeq, %select_n3A_508, %eq3A_518 : vector<512x128xf32>
      %broadcast_in_dim3A_520 = vector.broadcast %cond3A : f32 to vector<512x128xf32>
      %select_n3A_521 = arith.select %eq3A_519, %broadcast_in_dim3A_520, %select_n3A_508 : vector<512x128xi1>, vector<512x128xf32>
      %reduce_min3A_522 = arith.constant dense<0x7F800000> : vector<512xf32>
      %reduce_min3A_523 = vector.multi_reduction <minimumf>, %select_n3A_521, %reduce_min3A_522 [1] : vector<512x128xf32> to vector<512xf32>
      %broadcast_in_dim3A_524 = vector.shape_cast %reduce_min3A_523 : vector<512xf32> to vector<512x1xf32>
      %eq3A_525 = arith.constant 8 : i32
      %eq3A_526 = vector.broadcast %eq3A_525 : i32 to vector<512x16xi32>
      %eq3A_527 = arith.cmpi eq, %iota3A_23, %eq3A_526 : vector<512x16xi32>
      %broadcast_in_dim3A_528 = vector.shape_cast %broadcast_in_dim3A_524 : vector<512x1xf32> to vector<512x1xf32>
      %broadcast_in_dim3A_529 = vector.broadcast %broadcast_in_dim3A_528 : vector<512x1xf32> to vector<512x16xf32>
      %select_n3A_530 = arith.select %eq3A_527, %broadcast_in_dim3A_529, %select_n3A_517 : vector<512x16xi1>, vector<512x16xf32>
      %eq3A_531 = vector.broadcast %broadcast_in_dim3A_524 : vector<512x1xf32> to vector<512x128xf32>
      %eq3A_532 = arith.cmpf oeq, %select_n3A_521, %eq3A_531 : vector<512x128xf32>
      %broadcast_in_dim3A_533 = vector.broadcast %cond3A : f32 to vector<512x128xf32>
      %select_n3A_534 = arith.select %eq3A_532, %broadcast_in_dim3A_533, %select_n3A_521 : vector<512x128xi1>, vector<512x128xf32>
      %reduce_min3A_535 = arith.constant dense<0x7F800000> : vector<512xf32>
      %reduce_min3A_536 = vector.multi_reduction <minimumf>, %select_n3A_534, %reduce_min3A_535 [1] : vector<512x128xf32> to vector<512xf32>
      %broadcast_in_dim3A_537 = vector.shape_cast %reduce_min3A_536 : vector<512xf32> to vector<512x1xf32>
      %eq3A_538 = arith.constant 9 : i32
      %eq3A_539 = vector.broadcast %eq3A_538 : i32 to vector<512x16xi32>
      %eq3A_540 = arith.cmpi eq, %iota3A_23, %eq3A_539 : vector<512x16xi32>
      %broadcast_in_dim3A_541 = vector.shape_cast %broadcast_in_dim3A_537 : vector<512x1xf32> to vector<512x1xf32>
      %broadcast_in_dim3A_542 = vector.broadcast %broadcast_in_dim3A_541 : vector<512x1xf32> to vector<512x16xf32>
      %select_n3A_543 = arith.select %eq3A_540, %broadcast_in_dim3A_542, %select_n3A_530 : vector<512x16xi1>, vector<512x16xf32>
      %eq3A_544 = vector.broadcast %broadcast_in_dim3A_537 : vector<512x1xf32> to vector<512x128xf32>
      %eq3A_545 = arith.cmpf oeq, %select_n3A_534, %eq3A_544 : vector<512x128xf32>
      %broadcast_in_dim3A_546 = vector.broadcast %cond3A : f32 to vector<512x128xf32>
      %select_n3A_547 = arith.select %eq3A_545, %broadcast_in_dim3A_546, %select_n3A_534 : vector<512x128xi1>, vector<512x128xf32>
      %reduce_min3A_548 = arith.constant dense<0x7F800000> : vector<512xf32>
      %reduce_min3A_549 = vector.multi_reduction <minimumf>, %select_n3A_547, %reduce_min3A_548 [1] : vector<512x128xf32> to vector<512xf32>
      %broadcast_in_dim3A_550 = vector.shape_cast %reduce_min3A_549 : vector<512xf32> to vector<512x1xf32>
      %eq3A_551 = arith.constant 10 : i32
      %eq3A_552 = vector.broadcast %eq3A_551 : i32 to vector<512x16xi32>
      %eq3A_553 = arith.cmpi eq, %iota3A_23, %eq3A_552 : vector<512x16xi32>
      %broadcast_in_dim3A_554 = vector.shape_cast %broadcast_in_dim3A_550 : vector<512x1xf32> to vector<512x1xf32>
      %broadcast_in_dim3A_555 = vector.broadcast %broadcast_in_dim3A_554 : vector<512x1xf32> to vector<512x16xf32>
      %select_n3A_556 = arith.select %eq3A_553, %broadcast_in_dim3A_555, %select_n3A_543 : vector<512x16xi1>, vector<512x16xf32>
      %eq3A_557 = vector.broadcast %broadcast_in_dim3A_550 : vector<512x1xf32> to vector<512x128xf32>
      %eq3A_558 = arith.cmpf oeq, %select_n3A_547, %eq3A_557 : vector<512x128xf32>
      %broadcast_in_dim3A_559 = vector.broadcast %cond3A : f32 to vector<512x128xf32>
      %select_n3A_560 = arith.select %eq3A_558, %broadcast_in_dim3A_559, %select_n3A_547 : vector<512x128xi1>, vector<512x128xf32>
      %reduce_min3A_561 = arith.constant dense<0x7F800000> : vector<512xf32>
      %reduce_min3A_562 = vector.multi_reduction <minimumf>, %select_n3A_560, %reduce_min3A_561 [1] : vector<512x128xf32> to vector<512xf32>
      %broadcast_in_dim3A_563 = vector.shape_cast %reduce_min3A_562 : vector<512xf32> to vector<512x1xf32>
      %eq3A_564 = arith.constant 11 : i32
      %eq3A_565 = vector.broadcast %eq3A_564 : i32 to vector<512x16xi32>
      %eq3A_566 = arith.cmpi eq, %iota3A_23, %eq3A_565 : vector<512x16xi32>
      %broadcast_in_dim3A_567 = vector.shape_cast %broadcast_in_dim3A_563 : vector<512x1xf32> to vector<512x1xf32>
      %broadcast_in_dim3A_568 = vector.broadcast %broadcast_in_dim3A_567 : vector<512x1xf32> to vector<512x16xf32>
      %select_n3A_569 = arith.select %eq3A_566, %broadcast_in_dim3A_568, %select_n3A_556 : vector<512x16xi1>, vector<512x16xf32>
      %eq3A_570 = vector.broadcast %broadcast_in_dim3A_563 : vector<512x1xf32> to vector<512x128xf32>
      %eq3A_571 = arith.cmpf oeq, %select_n3A_560, %eq3A_570 : vector<512x128xf32>
      %broadcast_in_dim3A_572 = vector.broadcast %cond3A : f32 to vector<512x128xf32>
      %select_n3A_573 = arith.select %eq3A_571, %broadcast_in_dim3A_572, %select_n3A_560 : vector<512x128xi1>, vector<512x128xf32>
      %reduce_min3A_574 = arith.constant dense<0x7F800000> : vector<512xf32>
      %reduce_min3A_575 = vector.multi_reduction <minimumf>, %select_n3A_573, %reduce_min3A_574 [1] : vector<512x128xf32> to vector<512xf32>
      %broadcast_in_dim3A_576 = vector.shape_cast %reduce_min3A_575 : vector<512xf32> to vector<512x1xf32>
      %eq3A_577 = arith.constant 12 : i32
      %eq3A_578 = vector.broadcast %eq3A_577 : i32 to vector<512x16xi32>
      %eq3A_579 = arith.cmpi eq, %iota3A_23, %eq3A_578 : vector<512x16xi32>
      %broadcast_in_dim3A_580 = vector.shape_cast %broadcast_in_dim3A_576 : vector<512x1xf32> to vector<512x1xf32>
      %broadcast_in_dim3A_581 = vector.broadcast %broadcast_in_dim3A_580 : vector<512x1xf32> to vector<512x16xf32>
      %select_n3A_582 = arith.select %eq3A_579, %broadcast_in_dim3A_581, %select_n3A_569 : vector<512x16xi1>, vector<512x16xf32>
      %eq3A_583 = vector.broadcast %broadcast_in_dim3A_576 : vector<512x1xf32> to vector<512x128xf32>
      %eq3A_584 = arith.cmpf oeq, %select_n3A_573, %eq3A_583 : vector<512x128xf32>
      %broadcast_in_dim3A_585 = vector.broadcast %cond3A : f32 to vector<512x128xf32>
      %select_n3A_586 = arith.select %eq3A_584, %broadcast_in_dim3A_585, %select_n3A_573 : vector<512x128xi1>, vector<512x128xf32>
      %reduce_min3A_587 = arith.constant dense<0x7F800000> : vector<512xf32>
      %reduce_min3A_588 = vector.multi_reduction <minimumf>, %select_n3A_586, %reduce_min3A_587 [1] : vector<512x128xf32> to vector<512xf32>
      %broadcast_in_dim3A_589 = vector.shape_cast %reduce_min3A_588 : vector<512xf32> to vector<512x1xf32>
      %eq3A_590 = arith.constant 13 : i32
      %eq3A_591 = vector.broadcast %eq3A_590 : i32 to vector<512x16xi32>
      %eq3A_592 = arith.cmpi eq, %iota3A_23, %eq3A_591 : vector<512x16xi32>
      %broadcast_in_dim3A_593 = vector.shape_cast %broadcast_in_dim3A_589 : vector<512x1xf32> to vector<512x1xf32>
      %broadcast_in_dim3A_594 = vector.broadcast %broadcast_in_dim3A_593 : vector<512x1xf32> to vector<512x16xf32>
      %select_n3A_595 = arith.select %eq3A_592, %broadcast_in_dim3A_594, %select_n3A_582 : vector<512x16xi1>, vector<512x16xf32>
      %eq3A_596 = vector.broadcast %broadcast_in_dim3A_589 : vector<512x1xf32> to vector<512x128xf32>
      %eq3A_597 = arith.cmpf oeq, %select_n3A_586, %eq3A_596 : vector<512x128xf32>
      %broadcast_in_dim3A_598 = vector.broadcast %cond3A : f32 to vector<512x128xf32>
      %select_n3A_599 = arith.select %eq3A_597, %broadcast_in_dim3A_598, %select_n3A_586 : vector<512x128xi1>, vector<512x128xf32>
      %reduce_min3A_600 = arith.constant dense<0x7F800000> : vector<512xf32>
      %reduce_min3A_601 = vector.multi_reduction <minimumf>, %select_n3A_599, %reduce_min3A_600 [1] : vector<512x128xf32> to vector<512xf32>
      %broadcast_in_dim3A_602 = vector.shape_cast %reduce_min3A_601 : vector<512xf32> to vector<512x1xf32>
      %eq3A_603 = arith.constant 14 : i32
      %eq3A_604 = vector.broadcast %eq3A_603 : i32 to vector<512x16xi32>
      %eq3A_605 = arith.cmpi eq, %iota3A_23, %eq3A_604 : vector<512x16xi32>
      %broadcast_in_dim3A_606 = vector.shape_cast %broadcast_in_dim3A_602 : vector<512x1xf32> to vector<512x1xf32>
      %broadcast_in_dim3A_607 = vector.broadcast %broadcast_in_dim3A_606 : vector<512x1xf32> to vector<512x16xf32>
      %select_n3A_608 = arith.select %eq3A_605, %broadcast_in_dim3A_607, %select_n3A_595 : vector<512x16xi1>, vector<512x16xf32>
      %eq3A_609 = vector.broadcast %broadcast_in_dim3A_602 : vector<512x1xf32> to vector<512x128xf32>
      %eq3A_610 = arith.cmpf oeq, %select_n3A_599, %eq3A_609 : vector<512x128xf32>
      %broadcast_in_dim3A_611 = vector.broadcast %cond3A : f32 to vector<512x128xf32>
      %select_n3A_612 = arith.select %eq3A_610, %broadcast_in_dim3A_611, %select_n3A_599 : vector<512x128xi1>, vector<512x128xf32>
      %reduce_min3A_613 = arith.constant dense<0x7F800000> : vector<512xf32>
      %reduce_min3A_614 = vector.multi_reduction <minimumf>, %select_n3A_612, %reduce_min3A_613 [1] : vector<512x128xf32> to vector<512xf32>
      %broadcast_in_dim3A_615 = vector.shape_cast %reduce_min3A_614 : vector<512xf32> to vector<512x1xf32>
      %eq3A_616 = arith.constant 15 : i32
      %eq3A_617 = vector.broadcast %eq3A_616 : i32 to vector<512x16xi32>
      %eq3A_618 = arith.cmpi eq, %iota3A_23, %eq3A_617 : vector<512x16xi32>
      %broadcast_in_dim3A_619 = vector.shape_cast %broadcast_in_dim3A_615 : vector<512x1xf32> to vector<512x1xf32>
      %broadcast_in_dim3A_620 = vector.broadcast %broadcast_in_dim3A_619 : vector<512x1xf32> to vector<512x16xf32>
      %select_n3A_621 = arith.select %eq3A_618, %broadcast_in_dim3A_620, %select_n3A_608 : vector<512x16xi1>, vector<512x16xf32>
      %convert_element_type3A_622 = arith.fptosi %select_n3A_621 : vector<512x16xf32> to vector<512x16xi32>
      scf.yield %convert_element_type3A_622 : vector<512x16xi32>
    } else {
      %lt3A_416 = arith.constant 5.625000e-01 : f32
      %lt3A_417 = vector.broadcast %lt3A_416 : f32 to vector<512x4096xf32>
      %lt3A_418 = arith.cmpf olt, %max3A_22, %lt3A_417 : vector<512x4096xf32>
      %convert_element_type3A_419 = arith.sitofp %iota3A : vector<512x4096xi32> to vector<512x4096xf32>
      %broadcast_in_dim3A_420 = vector.broadcast %cond3A : f32 to vector<512x4096xf32>
      %select_n3A_421 = arith.select %lt3A_418, %convert_element_type3A_419, %broadcast_in_dim3A_420 : vector<512x4096xi1>, vector<512x4096xf32>
      %broadcast_in_dim3A_422 = arith.constant 0.000000e+00 : f32
      %broadcast_in_dim3A_423 = vector.broadcast %broadcast_in_dim3A_422 : f32 to vector<512x16xf32>
      %reduce_min3A_424 = arith.constant dense<0x7F800000> : vector<512xf32>
      %reduce_min3A_425 = vector.multi_reduction <minimumf>, %select_n3A_421, %reduce_min3A_424 [1] : vector<512x4096xf32> to vector<512xf32>
      %broadcast_in_dim3A_426 = vector.shape_cast %reduce_min3A_425 : vector<512xf32> to vector<512x1xf32>
      %eq3A_427 = arith.constant 0 : i32
      %eq3A_428 = vector.broadcast %eq3A_427 : i32 to vector<512x16xi32>
      %eq3A_429 = arith.cmpi eq, %iota3A_23, %eq3A_428 : vector<512x16xi32>
      %broadcast_in_dim3A_430 = vector.shape_cast %broadcast_in_dim3A_426 : vector<512x1xf32> to vector<512x1xf32>
      %broadcast_in_dim3A_431 = vector.broadcast %broadcast_in_dim3A_430 : vector<512x1xf32> to vector<512x16xf32>
      %select_n3A_432 = arith.select %eq3A_429, %broadcast_in_dim3A_431, %broadcast_in_dim3A_423 : vector<512x16xi1>, vector<512x16xf32>
      %eq3A_433 = vector.broadcast %broadcast_in_dim3A_426 : vector<512x1xf32> to vector<512x4096xf32>
      %eq3A_434 = arith.cmpf oeq, %select_n3A_421, %eq3A_433 : vector<512x4096xf32>
      %broadcast_in_dim3A_435 = vector.broadcast %cond3A : f32 to vector<512x4096xf32>
      %select_n3A_436 = arith.select %eq3A_434, %broadcast_in_dim3A_435, %select_n3A_421 : vector<512x4096xi1>, vector<512x4096xf32>
      %reduce_min3A_437 = arith.constant dense<0x7F800000> : vector<512xf32>
      %reduce_min3A_438 = vector.multi_reduction <minimumf>, %select_n3A_436, %reduce_min3A_437 [1] : vector<512x4096xf32> to vector<512xf32>
      %broadcast_in_dim3A_439 = vector.shape_cast %reduce_min3A_438 : vector<512xf32> to vector<512x1xf32>
      %eq3A_440 = vector.broadcast %cond3A : f32 to vector<512x1xf32>
      %eq3A_441 = arith.cmpf oeq, %broadcast_in_dim3A_439, %eq3A_440 : vector<512x1xf32>
      %select_n3A_442 = arith.select %eq3A_441, %broadcast_in_dim3A_426, %broadcast_in_dim3A_439 : vector<512x1xi1>, vector<512x1xf32>
      %eq3A_443 = arith.constant 1 : i32
      %eq3A_444 = vector.broadcast %eq3A_443 : i32 to vector<512x16xi32>
      %eq3A_445 = arith.cmpi eq, %iota3A_23, %eq3A_444 : vector<512x16xi32>
      %broadcast_in_dim3A_446 = vector.shape_cast %select_n3A_442 : vector<512x1xf32> to vector<512x1xf32>
      %broadcast_in_dim3A_447 = vector.broadcast %broadcast_in_dim3A_446 : vector<512x1xf32> to vector<512x16xf32>
      %select_n3A_448 = arith.select %eq3A_445, %broadcast_in_dim3A_447, %select_n3A_432 : vector<512x16xi1>, vector<512x16xf32>
      %eq3A_449 = vector.broadcast %broadcast_in_dim3A_439 : vector<512x1xf32> to vector<512x4096xf32>
      %eq3A_450 = arith.cmpf oeq, %select_n3A_436, %eq3A_449 : vector<512x4096xf32>
      %broadcast_in_dim3A_451 = vector.broadcast %cond3A : f32 to vector<512x4096xf32>
      %select_n3A_452 = arith.select %eq3A_450, %broadcast_in_dim3A_451, %select_n3A_436 : vector<512x4096xi1>, vector<512x4096xf32>
      %reduce_min3A_453 = arith.constant dense<0x7F800000> : vector<512xf32>
      %reduce_min3A_454 = vector.multi_reduction <minimumf>, %select_n3A_452, %reduce_min3A_453 [1] : vector<512x4096xf32> to vector<512xf32>
      %broadcast_in_dim3A_455 = vector.shape_cast %reduce_min3A_454 : vector<512xf32> to vector<512x1xf32>
      %eq3A_456 = vector.broadcast %cond3A : f32 to vector<512x1xf32>
      %eq3A_457 = arith.cmpf oeq, %broadcast_in_dim3A_455, %eq3A_456 : vector<512x1xf32>
      %select_n3A_458 = arith.select %eq3A_457, %broadcast_in_dim3A_426, %broadcast_in_dim3A_455 : vector<512x1xi1>, vector<512x1xf32>
      %eq3A_459 = arith.constant 2 : i32
      %eq3A_460 = vector.broadcast %eq3A_459 : i32 to vector<512x16xi32>
      %eq3A_461 = arith.cmpi eq, %iota3A_23, %eq3A_460 : vector<512x16xi32>
      %broadcast_in_dim3A_462 = vector.shape_cast %select_n3A_458 : vector<512x1xf32> to vector<512x1xf32>
      %broadcast_in_dim3A_463 = vector.broadcast %broadcast_in_dim3A_462 : vector<512x1xf32> to vector<512x16xf32>
      %select_n3A_464 = arith.select %eq3A_461, %broadcast_in_dim3A_463, %select_n3A_448 : vector<512x16xi1>, vector<512x16xf32>
      %eq3A_465 = vector.broadcast %broadcast_in_dim3A_455 : vector<512x1xf32> to vector<512x4096xf32>
      %eq3A_466 = arith.cmpf oeq, %select_n3A_452, %eq3A_465 : vector<512x4096xf32>
      %broadcast_in_dim3A_467 = vector.broadcast %cond3A : f32 to vector<512x4096xf32>
      %select_n3A_468 = arith.select %eq3A_466, %broadcast_in_dim3A_467, %select_n3A_452 : vector<512x4096xi1>, vector<512x4096xf32>
      %reduce_min3A_469 = arith.constant dense<0x7F800000> : vector<512xf32>
      %reduce_min3A_470 = vector.multi_reduction <minimumf>, %select_n3A_468, %reduce_min3A_469 [1] : vector<512x4096xf32> to vector<512xf32>
      %broadcast_in_dim3A_471 = vector.shape_cast %reduce_min3A_470 : vector<512xf32> to vector<512x1xf32>
      %eq3A_472 = vector.broadcast %cond3A : f32 to vector<512x1xf32>
      %eq3A_473 = arith.cmpf oeq, %broadcast_in_dim3A_471, %eq3A_472 : vector<512x1xf32>
      %select_n3A_474 = arith.select %eq3A_473, %broadcast_in_dim3A_426, %broadcast_in_dim3A_471 : vector<512x1xi1>, vector<512x1xf32>
      %eq3A_475 = arith.constant 3 : i32
      %eq3A_476 = vector.broadcast %eq3A_475 : i32 to vector<512x16xi32>
      %eq3A_477 = arith.cmpi eq, %iota3A_23, %eq3A_476 : vector<512x16xi32>
      %broadcast_in_dim3A_478 = vector.shape_cast %select_n3A_474 : vector<512x1xf32> to vector<512x1xf32>
      %broadcast_in_dim3A_479 = vector.broadcast %broadcast_in_dim3A_478 : vector<512x1xf32> to vector<512x16xf32>
      %select_n3A_480 = arith.select %eq3A_477, %broadcast_in_dim3A_479, %select_n3A_464 : vector<512x16xi1>, vector<512x16xf32>
      %eq3A_481 = vector.broadcast %broadcast_in_dim3A_471 : vector<512x1xf32> to vector<512x4096xf32>
      %eq3A_482 = arith.cmpf oeq, %select_n3A_468, %eq3A_481 : vector<512x4096xf32>
      %broadcast_in_dim3A_483 = vector.broadcast %cond3A : f32 to vector<512x4096xf32>
      %select_n3A_484 = arith.select %eq3A_482, %broadcast_in_dim3A_483, %select_n3A_468 : vector<512x4096xi1>, vector<512x4096xf32>
      %reduce_min3A_485 = arith.constant dense<0x7F800000> : vector<512xf32>
      %reduce_min3A_486 = vector.multi_reduction <minimumf>, %select_n3A_484, %reduce_min3A_485 [1] : vector<512x4096xf32> to vector<512xf32>
      %broadcast_in_dim3A_487 = vector.shape_cast %reduce_min3A_486 : vector<512xf32> to vector<512x1xf32>
      %eq3A_488 = vector.broadcast %cond3A : f32 to vector<512x1xf32>
      %eq3A_489 = arith.cmpf oeq, %broadcast_in_dim3A_487, %eq3A_488 : vector<512x1xf32>
      %select_n3A_490 = arith.select %eq3A_489, %broadcast_in_dim3A_426, %broadcast_in_dim3A_487 : vector<512x1xi1>, vector<512x1xf32>
      %eq3A_491 = arith.constant 4 : i32
      %eq3A_492 = vector.broadcast %eq3A_491 : i32 to vector<512x16xi32>
      %eq3A_493 = arith.cmpi eq, %iota3A_23, %eq3A_492 : vector<512x16xi32>
      %broadcast_in_dim3A_494 = vector.shape_cast %select_n3A_490 : vector<512x1xf32> to vector<512x1xf32>
      %broadcast_in_dim3A_495 = vector.broadcast %broadcast_in_dim3A_494 : vector<512x1xf32> to vector<512x16xf32>
      %select_n3A_496 = arith.select %eq3A_493, %broadcast_in_dim3A_495, %select_n3A_480 : vector<512x16xi1>, vector<512x16xf32>
      %eq3A_497 = vector.broadcast %broadcast_in_dim3A_487 : vector<512x1xf32> to vector<512x4096xf32>
      %eq3A_498 = arith.cmpf oeq, %select_n3A_484, %eq3A_497 : vector<512x4096xf32>
      %broadcast_in_dim3A_499 = vector.broadcast %cond3A : f32 to vector<512x4096xf32>
      %select_n3A_500 = arith.select %eq3A_498, %broadcast_in_dim3A_499, %select_n3A_484 : vector<512x4096xi1>, vector<512x4096xf32>
      %reduce_min3A_501 = arith.constant dense<0x7F800000> : vector<512xf32>
      %reduce_min3A_502 = vector.multi_reduction <minimumf>, %select_n3A_500, %reduce_min3A_501 [1] : vector<512x4096xf32> to vector<512xf32>
      %broadcast_in_dim3A_503 = vector.shape_cast %reduce_min3A_502 : vector<512xf32> to vector<512x1xf32>
      %eq3A_504 = vector.broadcast %cond3A : f32 to vector<512x1xf32>
      %eq3A_505 = arith.cmpf oeq, %broadcast_in_dim3A_503, %eq3A_504 : vector<512x1xf32>
      %select_n3A_506 = arith.select %eq3A_505, %broadcast_in_dim3A_426, %broadcast_in_dim3A_503 : vector<512x1xi1>, vector<512x1xf32>
      %eq3A_507 = arith.constant 5 : i32
      %eq3A_508 = vector.broadcast %eq3A_507 : i32 to vector<512x16xi32>
      %eq3A_509 = arith.cmpi eq, %iota3A_23, %eq3A_508 : vector<512x16xi32>
      %broadcast_in_dim3A_510 = vector.shape_cast %select_n3A_506 : vector<512x1xf32> to vector<512x1xf32>
      %broadcast_in_dim3A_511 = vector.broadcast %broadcast_in_dim3A_510 : vector<512x1xf32> to vector<512x16xf32>
      %select_n3A_512 = arith.select %eq3A_509, %broadcast_in_dim3A_511, %select_n3A_496 : vector<512x16xi1>, vector<512x16xf32>
      %eq3A_513 = vector.broadcast %broadcast_in_dim3A_503 : vector<512x1xf32> to vector<512x4096xf32>
      %eq3A_514 = arith.cmpf oeq, %select_n3A_500, %eq3A_513 : vector<512x4096xf32>
      %broadcast_in_dim3A_515 = vector.broadcast %cond3A : f32 to vector<512x4096xf32>
      %select_n3A_516 = arith.select %eq3A_514, %broadcast_in_dim3A_515, %select_n3A_500 : vector<512x4096xi1>, vector<512x4096xf32>
      %reduce_min3A_517 = arith.constant dense<0x7F800000> : vector<512xf32>
      %reduce_min3A_518 = vector.multi_reduction <minimumf>, %select_n3A_516, %reduce_min3A_517 [1] : vector<512x4096xf32> to vector<512xf32>
      %broadcast_in_dim3A_519 = vector.shape_cast %reduce_min3A_518 : vector<512xf32> to vector<512x1xf32>
      %eq3A_520 = vector.broadcast %cond3A : f32 to vector<512x1xf32>
      %eq3A_521 = arith.cmpf oeq, %broadcast_in_dim3A_519, %eq3A_520 : vector<512x1xf32>
      %select_n3A_522 = arith.select %eq3A_521, %broadcast_in_dim3A_426, %broadcast_in_dim3A_519 : vector<512x1xi1>, vector<512x1xf32>
      %eq3A_523 = arith.constant 6 : i32
      %eq3A_524 = vector.broadcast %eq3A_523 : i32 to vector<512x16xi32>
      %eq3A_525 = arith.cmpi eq, %iota3A_23, %eq3A_524 : vector<512x16xi32>
      %broadcast_in_dim3A_526 = vector.shape_cast %select_n3A_522 : vector<512x1xf32> to vector<512x1xf32>
      %broadcast_in_dim3A_527 = vector.broadcast %broadcast_in_dim3A_526 : vector<512x1xf32> to vector<512x16xf32>
      %select_n3A_528 = arith.select %eq3A_525, %broadcast_in_dim3A_527, %select_n3A_512 : vector<512x16xi1>, vector<512x16xf32>
      %eq3A_529 = vector.broadcast %broadcast_in_dim3A_519 : vector<512x1xf32> to vector<512x4096xf32>
      %eq3A_530 = arith.cmpf oeq, %select_n3A_516, %eq3A_529 : vector<512x4096xf32>
      %broadcast_in_dim3A_531 = vector.broadcast %cond3A : f32 to vector<512x4096xf32>
      %select_n3A_532 = arith.select %eq3A_530, %broadcast_in_dim3A_531, %select_n3A_516 : vector<512x4096xi1>, vector<512x4096xf32>
      %reduce_min3A_533 = arith.constant dense<0x7F800000> : vector<512xf32>
      %reduce_min3A_534 = vector.multi_reduction <minimumf>, %select_n3A_532, %reduce_min3A_533 [1] : vector<512x4096xf32> to vector<512xf32>
      %broadcast_in_dim3A_535 = vector.shape_cast %reduce_min3A_534 : vector<512xf32> to vector<512x1xf32>
      %eq3A_536 = vector.broadcast %cond3A : f32 to vector<512x1xf32>
      %eq3A_537 = arith.cmpf oeq, %broadcast_in_dim3A_535, %eq3A_536 : vector<512x1xf32>
      %select_n3A_538 = arith.select %eq3A_537, %broadcast_in_dim3A_426, %broadcast_in_dim3A_535 : vector<512x1xi1>, vector<512x1xf32>
      %eq3A_539 = arith.constant 7 : i32
      %eq3A_540 = vector.broadcast %eq3A_539 : i32 to vector<512x16xi32>
      %eq3A_541 = arith.cmpi eq, %iota3A_23, %eq3A_540 : vector<512x16xi32>
      %broadcast_in_dim3A_542 = vector.shape_cast %select_n3A_538 : vector<512x1xf32> to vector<512x1xf32>
      %broadcast_in_dim3A_543 = vector.broadcast %broadcast_in_dim3A_542 : vector<512x1xf32> to vector<512x16xf32>
      %select_n3A_544 = arith.select %eq3A_541, %broadcast_in_dim3A_543, %select_n3A_528 : vector<512x16xi1>, vector<512x16xf32>
      %eq3A_545 = vector.broadcast %broadcast_in_dim3A_535 : vector<512x1xf32> to vector<512x4096xf32>
      %eq3A_546 = arith.cmpf oeq, %select_n3A_532, %eq3A_545 : vector<512x4096xf32>
      %broadcast_in_dim3A_547 = vector.broadcast %cond3A : f32 to vector<512x4096xf32>
      %select_n3A_548 = arith.select %eq3A_546, %broadcast_in_dim3A_547, %select_n3A_532 : vector<512x4096xi1>, vector<512x4096xf32>
      %reduce_min3A_549 = arith.constant dense<0x7F800000> : vector<512xf32>
      %reduce_min3A_550 = vector.multi_reduction <minimumf>, %select_n3A_548, %reduce_min3A_549 [1] : vector<512x4096xf32> to vector<512xf32>
      %broadcast_in_dim3A_551 = vector.shape_cast %reduce_min3A_550 : vector<512xf32> to vector<512x1xf32>
      %eq3A_552 = vector.broadcast %cond3A : f32 to vector<512x1xf32>
      %eq3A_553 = arith.cmpf oeq, %broadcast_in_dim3A_551, %eq3A_552 : vector<512x1xf32>
      %select_n3A_554 = arith.select %eq3A_553, %broadcast_in_dim3A_426, %broadcast_in_dim3A_551 : vector<512x1xi1>, vector<512x1xf32>
      %eq3A_555 = arith.constant 8 : i32
      %eq3A_556 = vector.broadcast %eq3A_555 : i32 to vector<512x16xi32>
      %eq3A_557 = arith.cmpi eq, %iota3A_23, %eq3A_556 : vector<512x16xi32>
      %broadcast_in_dim3A_558 = vector.shape_cast %select_n3A_554 : vector<512x1xf32> to vector<512x1xf32>
      %broadcast_in_dim3A_559 = vector.broadcast %broadcast_in_dim3A_558 : vector<512x1xf32> to vector<512x16xf32>
      %select_n3A_560 = arith.select %eq3A_557, %broadcast_in_dim3A_559, %select_n3A_544 : vector<512x16xi1>, vector<512x16xf32>
      %eq3A_561 = vector.broadcast %broadcast_in_dim3A_551 : vector<512x1xf32> to vector<512x4096xf32>
      %eq3A_562 = arith.cmpf oeq, %select_n3A_548, %eq3A_561 : vector<512x4096xf32>
      %broadcast_in_dim3A_563 = vector.broadcast %cond3A : f32 to vector<512x4096xf32>
      %select_n3A_564 = arith.select %eq3A_562, %broadcast_in_dim3A_563, %select_n3A_548 : vector<512x4096xi1>, vector<512x4096xf32>
      %reduce_min3A_565 = arith.constant dense<0x7F800000> : vector<512xf32>
      %reduce_min3A_566 = vector.multi_reduction <minimumf>, %select_n3A_564, %reduce_min3A_565 [1] : vector<512x4096xf32> to vector<512xf32>
      %broadcast_in_dim3A_567 = vector.shape_cast %reduce_min3A_566 : vector<512xf32> to vector<512x1xf32>
      %eq3A_568 = vector.broadcast %cond3A : f32 to vector<512x1xf32>
      %eq3A_569 = arith.cmpf oeq, %broadcast_in_dim3A_567, %eq3A_568 : vector<512x1xf32>
      %select_n3A_570 = arith.select %eq3A_569, %broadcast_in_dim3A_426, %broadcast_in_dim3A_567 : vector<512x1xi1>, vector<512x1xf32>
      %eq3A_571 = arith.constant 9 : i32
      %eq3A_572 = vector.broadcast %eq3A_571 : i32 to vector<512x16xi32>
      %eq3A_573 = arith.cmpi eq, %iota3A_23, %eq3A_572 : vector<512x16xi32>
      %broadcast_in_dim3A_574 = vector.shape_cast %select_n3A_570 : vector<512x1xf32> to vector<512x1xf32>
      %broadcast_in_dim3A_575 = vector.broadcast %broadcast_in_dim3A_574 : vector<512x1xf32> to vector<512x16xf32>
      %select_n3A_576 = arith.select %eq3A_573, %broadcast_in_dim3A_575, %select_n3A_560 : vector<512x16xi1>, vector<512x16xf32>
      %eq3A_577 = vector.broadcast %broadcast_in_dim3A_567 : vector<512x1xf32> to vector<512x4096xf32>
      %eq3A_578 = arith.cmpf oeq, %select_n3A_564, %eq3A_577 : vector<512x4096xf32>
      %broadcast_in_dim3A_579 = vector.broadcast %cond3A : f32 to vector<512x4096xf32>
      %select_n3A_580 = arith.select %eq3A_578, %broadcast_in_dim3A_579, %select_n3A_564 : vector<512x4096xi1>, vector<512x4096xf32>
      %reduce_min3A_581 = arith.constant dense<0x7F800000> : vector<512xf32>
      %reduce_min3A_582 = vector.multi_reduction <minimumf>, %select_n3A_580, %reduce_min3A_581 [1] : vector<512x4096xf32> to vector<512xf32>
      %broadcast_in_dim3A_583 = vector.shape_cast %reduce_min3A_582 : vector<512xf32> to vector<512x1xf32>
      %eq3A_584 = vector.broadcast %cond3A : f32 to vector<512x1xf32>
      %eq3A_585 = arith.cmpf oeq, %broadcast_in_dim3A_583, %eq3A_584 : vector<512x1xf32>
      %select_n3A_586 = arith.select %eq3A_585, %broadcast_in_dim3A_426, %broadcast_in_dim3A_583 : vector<512x1xi1>, vector<512x1xf32>
      %eq3A_587 = arith.constant 10 : i32
      %eq3A_588 = vector.broadcast %eq3A_587 : i32 to vector<512x16xi32>
      %eq3A_589 = arith.cmpi eq, %iota3A_23, %eq3A_588 : vector<512x16xi32>
      %broadcast_in_dim3A_590 = vector.shape_cast %select_n3A_586 : vector<512x1xf32> to vector<512x1xf32>
      %broadcast_in_dim3A_591 = vector.broadcast %broadcast_in_dim3A_590 : vector<512x1xf32> to vector<512x16xf32>
      %select_n3A_592 = arith.select %eq3A_589, %broadcast_in_dim3A_591, %select_n3A_576 : vector<512x16xi1>, vector<512x16xf32>
      %eq3A_593 = vector.broadcast %broadcast_in_dim3A_583 : vector<512x1xf32> to vector<512x4096xf32>
      %eq3A_594 = arith.cmpf oeq, %select_n3A_580, %eq3A_593 : vector<512x4096xf32>
      %broadcast_in_dim3A_595 = vector.broadcast %cond3A : f32 to vector<512x4096xf32>
      %select_n3A_596 = arith.select %eq3A_594, %broadcast_in_dim3A_595, %select_n3A_580 : vector<512x4096xi1>, vector<512x4096xf32>
      %reduce_min3A_597 = arith.constant dense<0x7F800000> : vector<512xf32>
      %reduce_min3A_598 = vector.multi_reduction <minimumf>, %select_n3A_596, %reduce_min3A_597 [1] : vector<512x4096xf32> to vector<512xf32>
      %broadcast_in_dim3A_599 = vector.shape_cast %reduce_min3A_598 : vector<512xf32> to vector<512x1xf32>
      %eq3A_600 = vector.broadcast %cond3A : f32 to vector<512x1xf32>
      %eq3A_601 = arith.cmpf oeq, %broadcast_in_dim3A_599, %eq3A_600 : vector<512x1xf32>
      %select_n3A_602 = arith.select %eq3A_601, %broadcast_in_dim3A_426, %broadcast_in_dim3A_599 : vector<512x1xi1>, vector<512x1xf32>
      %eq3A_603 = arith.constant 11 : i32
      %eq3A_604 = vector.broadcast %eq3A_603 : i32 to vector<512x16xi32>
      %eq3A_605 = arith.cmpi eq, %iota3A_23, %eq3A_604 : vector<512x16xi32>
      %broadcast_in_dim3A_606 = vector.shape_cast %select_n3A_602 : vector<512x1xf32> to vector<512x1xf32>
      %broadcast_in_dim3A_607 = vector.broadcast %broadcast_in_dim3A_606 : vector<512x1xf32> to vector<512x16xf32>
      %select_n3A_608 = arith.select %eq3A_605, %broadcast_in_dim3A_607, %select_n3A_592 : vector<512x16xi1>, vector<512x16xf32>
      %eq3A_609 = vector.broadcast %broadcast_in_dim3A_599 : vector<512x1xf32> to vector<512x4096xf32>
      %eq3A_610 = arith.cmpf oeq, %select_n3A_596, %eq3A_609 : vector<512x4096xf32>
      %broadcast_in_dim3A_611 = vector.broadcast %cond3A : f32 to vector<512x4096xf32>
      %select_n3A_612 = arith.select %eq3A_610, %broadcast_in_dim3A_611, %select_n3A_596 : vector<512x4096xi1>, vector<512x4096xf32>
      %reduce_min3A_613 = arith.constant dense<0x7F800000> : vector<512xf32>
      %reduce_min3A_614 = vector.multi_reduction <minimumf>, %select_n3A_612, %reduce_min3A_613 [1] : vector<512x4096xf32> to vector<512xf32>
      %broadcast_in_dim3A_615 = vector.shape_cast %reduce_min3A_614 : vector<512xf32> to vector<512x1xf32>
      %eq3A_616 = vector.broadcast %cond3A : f32 to vector<512x1xf32>
      %eq3A_617 = arith.cmpf oeq, %broadcast_in_dim3A_615, %eq3A_616 : vector<512x1xf32>
      %select_n3A_618 = arith.select %eq3A_617, %broadcast_in_dim3A_426, %broadcast_in_dim3A_615 : vector<512x1xi1>, vector<512x1xf32>
      %eq3A_619 = arith.constant 12 : i32
      %eq3A_620 = vector.broadcast %eq3A_619 : i32 to vector<512x16xi32>
      %eq3A_621 = arith.cmpi eq, %iota3A_23, %eq3A_620 : vector<512x16xi32>
      %broadcast_in_dim3A_622 = vector.shape_cast %select_n3A_618 : vector<512x1xf32> to vector<512x1xf32>
      %broadcast_in_dim3A_623 = vector.broadcast %broadcast_in_dim3A_622 : vector<512x1xf32> to vector<512x16xf32>
      %select_n3A_624 = arith.select %eq3A_621, %broadcast_in_dim3A_623, %select_n3A_608 : vector<512x16xi1>, vector<512x16xf32>
      %eq3A_625 = vector.broadcast %broadcast_in_dim3A_615 : vector<512x1xf32> to vector<512x4096xf32>
      %eq3A_626 = arith.cmpf oeq, %select_n3A_612, %eq3A_625 : vector<512x4096xf32>
      %broadcast_in_dim3A_627 = vector.broadcast %cond3A : f32 to vector<512x4096xf32>
      %select_n3A_628 = arith.select %eq3A_626, %broadcast_in_dim3A_627, %select_n3A_612 : vector<512x4096xi1>, vector<512x4096xf32>
      %reduce_min3A_629 = arith.constant dense<0x7F800000> : vector<512xf32>
      %reduce_min3A_630 = vector.multi_reduction <minimumf>, %select_n3A_628, %reduce_min3A_629 [1] : vector<512x4096xf32> to vector<512xf32>
      %broadcast_in_dim3A_631 = vector.shape_cast %reduce_min3A_630 : vector<512xf32> to vector<512x1xf32>
      %eq3A_632 = vector.broadcast %cond3A : f32 to vector<512x1xf32>
      %eq3A_633 = arith.cmpf oeq, %broadcast_in_dim3A_631, %eq3A_632 : vector<512x1xf32>
      %select_n3A_634 = arith.select %eq3A_633, %broadcast_in_dim3A_426, %broadcast_in_dim3A_631 : vector<512x1xi1>, vector<512x1xf32>
      %eq3A_635 = arith.constant 13 : i32
      %eq3A_636 = vector.broadcast %eq3A_635 : i32 to vector<512x16xi32>
      %eq3A_637 = arith.cmpi eq, %iota3A_23, %eq3A_636 : vector<512x16xi32>
      %broadcast_in_dim3A_638 = vector.shape_cast %select_n3A_634 : vector<512x1xf32> to vector<512x1xf32>
      %broadcast_in_dim3A_639 = vector.broadcast %broadcast_in_dim3A_638 : vector<512x1xf32> to vector<512x16xf32>
      %select_n3A_640 = arith.select %eq3A_637, %broadcast_in_dim3A_639, %select_n3A_624 : vector<512x16xi1>, vector<512x16xf32>
      %eq3A_641 = vector.broadcast %broadcast_in_dim3A_631 : vector<512x1xf32> to vector<512x4096xf32>
      %eq3A_642 = arith.cmpf oeq, %select_n3A_628, %eq3A_641 : vector<512x4096xf32>
      %broadcast_in_dim3A_643 = vector.broadcast %cond3A : f32 to vector<512x4096xf32>
      %select_n3A_644 = arith.select %eq3A_642, %broadcast_in_dim3A_643, %select_n3A_628 : vector<512x4096xi1>, vector<512x4096xf32>
      %reduce_min3A_645 = arith.constant dense<0x7F800000> : vector<512xf32>
      %reduce_min3A_646 = vector.multi_reduction <minimumf>, %select_n3A_644, %reduce_min3A_645 [1] : vector<512x4096xf32> to vector<512xf32>
      %broadcast_in_dim3A_647 = vector.shape_cast %reduce_min3A_646 : vector<512xf32> to vector<512x1xf32>
      %eq3A_648 = vector.broadcast %cond3A : f32 to vector<512x1xf32>
      %eq3A_649 = arith.cmpf oeq, %broadcast_in_dim3A_647, %eq3A_648 : vector<512x1xf32>
      %select_n3A_650 = arith.select %eq3A_649, %broadcast_in_dim3A_426, %broadcast_in_dim3A_647 : vector<512x1xi1>, vector<512x1xf32>
      %eq3A_651 = arith.constant 14 : i32
      %eq3A_652 = vector.broadcast %eq3A_651 : i32 to vector<512x16xi32>
      %eq3A_653 = arith.cmpi eq, %iota3A_23, %eq3A_652 : vector<512x16xi32>
      %broadcast_in_dim3A_654 = vector.shape_cast %select_n3A_650 : vector<512x1xf32> to vector<512x1xf32>
      %broadcast_in_dim3A_655 = vector.broadcast %broadcast_in_dim3A_654 : vector<512x1xf32> to vector<512x16xf32>
      %select_n3A_656 = arith.select %eq3A_653, %broadcast_in_dim3A_655, %select_n3A_640 : vector<512x16xi1>, vector<512x16xf32>
      %eq3A_657 = vector.broadcast %broadcast_in_dim3A_647 : vector<512x1xf32> to vector<512x4096xf32>
      %eq3A_658 = arith.cmpf oeq, %select_n3A_644, %eq3A_657 : vector<512x4096xf32>
      %broadcast_in_dim3A_659 = vector.broadcast %cond3A : f32 to vector<512x4096xf32>
      %select_n3A_660 = arith.select %eq3A_658, %broadcast_in_dim3A_659, %select_n3A_644 : vector<512x4096xi1>, vector<512x4096xf32>
      %reduce_min3A_661 = arith.constant dense<0x7F800000> : vector<512xf32>
      %reduce_min3A_662 = vector.multi_reduction <minimumf>, %select_n3A_660, %reduce_min3A_661 [1] : vector<512x4096xf32> to vector<512xf32>
      %broadcast_in_dim3A_663 = vector.shape_cast %reduce_min3A_662 : vector<512xf32> to vector<512x1xf32>
      %eq3A_664 = vector.broadcast %cond3A : f32 to vector<512x1xf32>
      %eq3A_665 = arith.cmpf oeq, %broadcast_in_dim3A_663, %eq3A_664 : vector<512x1xf32>
      %select_n3A_666 = arith.select %eq3A_665, %broadcast_in_dim3A_426, %broadcast_in_dim3A_663 : vector<512x1xi1>, vector<512x1xf32>
      %eq3A_667 = arith.constant 15 : i32
      %eq3A_668 = vector.broadcast %eq3A_667 : i32 to vector<512x16xi32>
      %eq3A_669 = arith.cmpi eq, %iota3A_23, %eq3A_668 : vector<512x16xi32>
      %broadcast_in_dim3A_670 = vector.shape_cast %select_n3A_666 : vector<512x1xf32> to vector<512x1xf32>
      %broadcast_in_dim3A_671 = vector.broadcast %broadcast_in_dim3A_670 : vector<512x1xf32> to vector<512x16xf32>
      %select_n3A_672 = arith.select %eq3A_669, %broadcast_in_dim3A_671, %select_n3A_656 : vector<512x16xi1>, vector<512x16xf32>
      %convert_element_type3A_673 = arith.fptosi %select_n3A_672 : vector<512x16xf32> to vector<512x16xi32>
      scf.yield %convert_element_type3A_673 : vector<512x16xi32>
    }
    %swap3A_410 = arith.constant 0 : index
    %swap3A_411 = arith.constant 0 : index
    %swap3A_412 = arith.constant 0 : index
    %swap3A_413 = vector.load %arg5[%swap3A_410, %swap3A_411, %swap3A_412] : memref<1x512x16xi32, #tpu.memory_space<vmem>>, vector<1x512x16xi32>
    %swap3A_414 = vector.shape_cast %swap3A_413 : vector<1x512x16xi32> to vector<512x16xi32>
    %swap3A_415 = vector.shape_cast %cond3A_409 : vector<512x16xi32> to vector<1x512x16xi32>
    tpu.vector_store %arg5[%swap3A_410, %swap3A_411, %swap3A_412], %swap3A_415 {strides = array<i32>} : memref<1x512x16xi32, #tpu.memory_space<vmem>>, vector<1x512x16xi32>,
    return
  }
  func.func @transform_0(%arg0: i32, %arg1: i32) -> (i32, i32, i32) {
    %c0_i32 = arith.constant 0 : i32
    %c0_i32_0 = arith.constant 0 : i32
    return %arg0, %arg1, %c0_i32 : i32, i32, i32
  }
  func.func @transform_1(%arg0: i32, %arg1: i32) -> (i32, i32, i32) {
    %c0_i32 = arith.constant 0 : i32
    %c0_i32_0 = arith.constant 0 : i32
    %c0_i32_1 = arith.constant 0 : i32
    return %arg0, %c0_i32, %c0_i32_0 : i32, i32, i32
  }
  func.func @transform_2(%arg0: i32, %arg1: i32) -> (i32, i32, i32) {
    %c0_i32 = arith.constant 0 : i32
    %c0_i32_0 = arith.constant 0 : i32
    return %arg0, %arg1, %c0_i32 : i32, i32, i32
  }
  func.func @transform_3(%arg0: i32, %arg1: i32) -> (i32, i32, i32) {
    %c0_i32 = arith.constant 0 : i32
    %c0_i32_0 = arith.constant 0 : i32
    return %arg0, %arg1, %c0_i32 : i32, i32, i32
  }
}

</mosaic_0001>

<sc_bundles>
// kernel: kernel.4.cloned.1.call-start
scs
__scs_entry_jumppad:
0x0: {  	(pc) =	sbr.rel $0x88, $3  }
0x1: {  	(tag) =	ssettag $0x0;
	lr =	simm.s32 $0x1  }
0x2: {  	[smem:$0x3F9E] =	sst lr;
	_ =	strace $0xD0000000  }
0x3: {  	_ = 	snop  }
0x4: {  	_ = 	snop  }
0x5: {  	_ = 	snop  }
0x6: {  	_ = 	snop  }
0x7: {  	_ = 	snop  }
__scs_overlays_trampoline_lowered:
0x8: {  	[smem:$0x3FAD] =	sst s0  }
0x9: {  	[smem:$0x3FAE] =	sst s1  }
0xa: {  	[smem:$0x3FAF] =	sst s2  }
0xb: {  	[smem:$0x3FB0] =	sst s3  }
0xc: {  	[smem:$0x3FB1] =	sst s4  }
0xd: {  	[smem:$0x3FB2] =	sst s5  }
0xe: {  	[smem:$0x3FB3] =	sst s6  }
0xf: {  	[smem:$0x3FB4] =	sst s7  }
0x10: {  	[smem:$0x3FB5] =	sst s8  }
0x11: {  	[smem:$0x3FB6] =	sst s9;
	s0 =	simm.s32 @!p0 $0x0  }
0x12: {  	s1 =	sld [smem:$0x3F9C];
	s0 =	simm.s32 @p0 $0x1  }
0x13: {  	[smem:$0x3FB7] =	sst s0;
	s0 =	simm.s32 @!p1 $0x0  }
0x14: {  	s2 =	sld [smem:$0x3F9B];
	s0 =	simm.s32 @p1 $0x1  }
0x15: {  	[smem:$0x3FB8] =	sst s0;
	s0 =	simm.s32 @!p2 $0x0  }
0x16: {  	s3 =	sld [smem:$0x3FDB];
	s0 =	simm.s32 @p2 $0x1  }
0x17: {  	s4 =	simm.s32 $0x1BF5;
	[smem:$0x3FBA] =	sst s0  }
0x18: {  	s0 =	sld [smem:$0x3F9D];
	_ =	swait.ge [sflag:s4], $0x0  }
0x19: {  	s7 =	sld [smem:$0x3F9E]  }
0x1a: {  	s8 =	sadd.s32 $0xFFFFE003, lr  }
0x1b: {  	s9 =	sadd.s32 $0xFFFFFEF7, lr;
	s5 =	simm.s32 $0xFFFFFFFF;
	p2 =	slt.u32 s8, $0xFFFFF086  }
0x1c: {  	p1 =	slt.u32 s9, $0xF7A;
	s5 =	simm.s32 @!p2 $0x0  }
0x1d: {  	s5 =	simm.s32 @p1 $0x1;
	p0 =	seq.s32 s7, s2  }
0x1e: {  	s7 =	smul.u32 @!p0 $0xF7A, s2;
	p2 =	seq.s32 @!p0 s5, $0x0  }
0x1f: {  	s9 =	smul.u32 $0xF7A, s1;
	s8 =	simm.s32 @!p0 $0x1BF5;
	p2 =	por !p2, p0  }
0x20: {  	[sflag:s8] =	ssyncset.s32 @!p0 $0xFFFFF086;
	s6 =	sadd.s32 @!p0 s3, s7;
	s7 =	simm.s32 @!p0 $0x108  }
0x21: {  	s3 =	sadd.s32 s3, s9;
	s6 =	sadd.s32 @!p0 $0x88, s6;
	s7 =	simm.s32 @p2 $0x1082  }
0x22: {  	[simem:s7], [sflag:s8] =	dma.local @!p0 [hbm:s6], $0xF7A  }
0x23: {  	s9 =	sor.u32 $0xD0000000, s2;
	s6 =	simm.s32 $0x108;
	_ =	swait.ge @!p0 [sflag:s8], $0x0  }
0x24: {  	s3 =	sadd.s32 $0x88, s3;
	s6 =	simm.s32 @!p1 $0x1082;
	[sflag:s4] =	ssyncset.s32 $0xFFFFF086  }
0x25: {  	[simem:s6], [sflag:s4] =	dma.local [hbm:s3], $0xF7A  }
0x26: {  	[smem:$0x3F9E] =	sst s1;
	(tag) =	ssettag s2;
	_ =	strace s9  }
0x27: {  	s1 =	sld [smem:$0x3FAE]  }
0x28: {  	s2 =	sld [smem:$0x3FAF]  }
0x29: {  	s4 =	sld [smem:$0x3FB1]  }
0x2a: {  	p0 =	seq.s32 s5, $0x0;
	s5 =	sld [smem:$0x3FB2]  }
0x2b: {  	s6 =	sld [smem:$0x3FB3]  }
0x2c: {  	s7 =	sld [smem:$0x3FB4]  }
0x2d: {  	s3 =	simm.s32 $0x108;
	s8 =	sld [smem:$0x3FB5]  }
0x2e: {  	s3 =	simm.s32 @!p0 $0x1082;
	s9 =	sld [smem:$0x3FB6]  }
0x2f: {  	lr =	sadd.s32 s0, s3;
	s0 =	sld [smem:$0x3FAD]  }
0x30: {  	s3 =	sld [smem:$0x3FB0]  }
0x31: {  	[smem:$0x3FB9] =	sst s10  }
0x32: {  	s10 =	sld [smem:$0x3FB7];
	_ =	sdelay $0x3  }
0x33: {  	p0 =	seq.s32 s10, $0x1;
	s10 =	sld [smem:$0x3FB9];
	_ =	sdelay $0x3  }
0x34: {  	[smem:$0x3FB9] =	sst s10  }
0x35: {  	s10 =	sld [smem:$0x3FB8];
	_ =	sdelay $0x3  }
0x36: {  	p1 =	seq.s32 s10, $0x1;
	s10 =	sld [smem:$0x3FB9];
	_ =	sdelay $0x3  }
0x37: {  	[smem:$0x3FB9] =	sst s10  }
0x38: {  	s10 =	sld [smem:$0x3FBA]  }
0x39: {  	_ = 	snop;
	(pc) =	sbr.ind lr, $3  }
0x3a: {  	_ = 	snop  }
0x3b: {  	_ = 	snop  }
0x3c: {  	p2 =	seq.s32 s10, $0x1;
	s10 =	sld [smem:$0x3FB9]  }
0x3d: {  	_ =	shalt  }
0x3e: {  	_ =	shalt  }
0x3f: {  	_ =	shalt  }
0x40: {  	_ =	shalt  }
0x41: {  	_ =	shalt  }
0x42: {  	_ =	shalt  }
0x43: {  	_ =	shalt  }
0x44: {  	_ =	shalt  }
0x45: {  	_ =	shalt  }
0x46: {  	_ =	shalt  }
0x47: {  	_ =	shalt  }
0x48: {  	_ =	shalt  }
0x49: {  	_ =	shalt  }
0x4a: {  	_ =	shalt  }
0x4b: {  	_ =	shalt  }
0x4c: {  	_ =	shalt  }
0x4d: {  	_ =	shalt  }
0x4e: {  	_ =	shalt  }
0x4f: {  	_ =	shalt  }
0x50: {  	_ =	shalt  }
0x51: {  	_ =	shalt  }
0x52: {  	_ =	shalt  }
0x53: {  	_ =	shalt  }
0x54: {  	_ =	shalt  }
0x55: {  	_ =	shalt  }
0x56: {  	_ =	shalt  }
0x57: {  	_ =	shalt  }
0x58: {  	_ =	shalt  }
0x59: {  	_ =	shalt  }
0x5a: {  	_ =	shalt  }
0x5b: {  	_ =	shalt  }
0x5c: {  	_ =	shalt  }
0x5d: {  	_ =	shalt  }
0x5e: {  	_ =	shalt  }
0x5f: {  	_ =	shalt  }
0x60: {  	_ =	shalt  }
0x61: {  	_ =	shalt  }
0x62: {  	_ =	shalt  }
0x63: {  	_ =	shalt  }
0x64: {  	_ =	shalt  }
0x65: {  	_ =	shalt  }
0x66: {  	_ =	shalt  }
0x67: {  	_ =	shalt  }
0x68: {  	_ =	shalt  }
0x69: {  	_ =	shalt  }
0x6a: {  	_ =	shalt  }
0x6b: {  	_ =	shalt  }
0x6c: {  	_ =	shalt  }
0x6d: {  	_ =	shalt  }
0x6e: {  	_ =	shalt  }
0x6f: {  	_ =	shalt  }
0x70: {  	_ =	shalt  }
0x71: {  	_ =	shalt  }
0x72: {  	_ =	shalt  }
0x73: {  	_ =	shalt  }
0x74: {  	_ =	shalt  }
0x75: {  	_ =	shalt  }
0x76: {  	_ =	shalt  }
0x77: {  	_ =	shalt  }
0x78: {  	_ =	shalt  }
0x79: {  	_ =	shalt  }
0x7a: {  	_ =	shalt  }
0x7b: {  	_ =	shalt  }
0x7c: {  	_ =	shalt  }
0x7d: {  	_ =	shalt  }
0x7e: {  	_ =	shalt  }
0x7f: {  	_ =	shalt  }
0x80: {  	_ =	shalt  }
0x81: {  	_ =	shalt  }
0x82: {  	_ =	shalt  }
0x83: {  	_ =	shalt  }
0x84: {  	_ =	shalt  }
0x85: {  	_ =	shalt  }
0x86: {  	_ =	shalt  }
0x87: {  	_ =	shalt  }
.Lfunc_end0:
.L_simem_size_0:
called_computation_lowered:
.L_overlay_start_0:
0x88: {  	s2 =	sld [smem:$0x3FD9]  }
0x89: {  	s3 =	sld [smem:$0x3FFE];
	_ =	sdelay $0x1  }
0x8a: {  	s1 =	srdreg.scid  }
0x8b: {  	s0 =	sand.u32 $0x1, s1  }
0x8c: {  	s16 =	sshll.u32 s0, $0xA;
	s2 =	sadd.s32 s3, s2  }
0x8d: {  	s2 =	sadd.s32 s2, s16  }
0x8e: {  	[smem:$0x3FC5] =	sst s2  }
0x8f: {  	_ = 	snop  }
0x90: {  	(tm) =	ssettm $0x1  }
0x91: {  	s17 =	sld [smem:$0x3FFB];
	_ =	sdelay $0x3  }
0x92: {  	_ =	strace s17  }
0x93: {  	s2 =	sld [smem:$0x3FFC];
	_ =	sdelay $0x3  }
0x94: {  	_ =	strace s2  }
0x95: {  	s2 =	sld [smem:$0x3FFD];
	_ =	sdelay $0x3  }
0x96: {  	_ =	strace s2  }
0x97: {  	_ =	strace $0x8FFFFFFF  }
0x98: {  	s18 =	sld [smem:$0x3FDB];
	_ =	sdelay $0x1  }
0x99: {  	s19 =	simm.s32 $_scs_section_size  }
0x9a: {  	s4 =	simm.s32 $_size__tile_overlayer_lowered;
	s5 =	simm.s32 $_tile_overlayer_lowered  }
0x9b: {  	s22 =	simm.s32 $0x1BFF;
	s21 =	sshll.u32 s5, $0x1;
	s2 =	sadd.s32 s19, s18  }
0x9c: {  	s6 =	simm.s32 $0x0;
	s20 =	sshll.u32 s4, $0x1;
	s4 =	sadd.s32 s21, s2  }
0x9d: {  	[timem:s6], [sflag:s22] =	dma.local [hbm:s4], s20  }
0x9e: {  	_ =	swait.ge [sflag:s22], s20  }
0x9f: {  	s3 =	ssub.s32 $0x0, s20;
	[sflag:s22] =	ssyncset.done $0x0  }
0xa0: {  	[sflag:s22] =	ssyncadd.s32 s3;
	_ =	sdelay $0x1  }
0xa1: {  	s23 =	simm.s32 $0x1B8B  }
0xa2: {  	_ =	swait.ge [sflag:s23], $0x1  }
0xa3: {  	[sflag:s23] =	ssyncset.done $0x0  }
0xa4: {  	s25 =	simm.s32 $0x1B8E;
	s24 =	sld [smem:$0x3FFE];
	[sflag:s23] =	ssyncadd.s32 $0xFFFFFFFF  }
0xa5: {  	s26 =	simm.s32 $execute0_lowered;
	[smem:$0x3FD2] =	sst s25  }
0xa6: {  	s4 =	sshll.u32 s26, $0x1;
	_ =	strace $0x80000046;
	[dreg:$0x1] =	wrdreg $0xFFFFFFFF  }
0xa7: {  	s28 =	simm.s32 $_size_execute0_lowered;
	s2 =	sadd.s32 s2, s4;
	[dreg:$0x0] =	wrdreg $0x0  }
0xa8: {  	s4 =	sshll.u32 s28, $0x1;
	[dreg:$0x2] =	wrdreg s2  }
0xa9: {  	[dreg:$0x3] =	wrdreg s4  }
0xaa: {  	[dreg:$0x4] =	wrdreg $0xC0  }
0xab: {  	_ =	task [dreg:s6], $0x5FFFF  }
0xac: {  	[dreg:$0x1] =	wrdreg $0xFFFFFFFF  }
0xad: {  	[dreg:$0x0] =	wrdreg $0x60  }
0xae: {  	[dreg:$0x2] =	wrdreg s24  }
0xaf: {  	[dreg:$0x3] =	wrdreg $0x9  }
0xb0: {  	_ =	task.clear_ibuf [dreg:s6], $0x4FFFF;
	_ =	strace $0x90000046  }
0xb1: {  	s29 =	simm.s32 $0x9;
	_ =	strace $0x80000048  }
0xb2: {  	_ =	swait.ge [sflag:s29], $0x1  }
0xb3: {  	[sflag:s29] =	ssyncadd.s32 $0xFFFFFFFF  }
0xb4: {  	_ =	strace $0x90000048  }
0xb5: {  	_ =	sfence  }
0xb6: {  	s30 =	sld [smem:$0x0];
	_ =	sdelay $0x2  }
0xb7: {  	s31 =	sshll.u32 s1, $0xD;
	s1 =	sshrl.u32 s1, $0x2  }
0xb8: {  	s3 =	sand.u32 $0x4000, s31;
	s1 =	sadd.s32 s1, s30  }
0xb9: {  	s0 =	sor.u32 s3, s0;
	s1 =	sshll.u32 s1, $0x11  }
0xba: {  	s0 =	sor.u32 s1, s0  }
0xbb: {  	s0 =	sadd.s32 $0x8F2B, s0  }
0xbc: {  	[sflag:s0] =	ssyncadd.remote.s32 $0x1  }
0xbd: {  	_ =	sfence.sel $0xFFFF  }
0xbe: {  	[dreg:$0x0] =	wrdreg $0xFFFFFFFF;
	(pc) =	sbr.abs _section_cstart, $3  }
0xbf: {  	[dreg:$0x1] =	wrdreg $0xFFFFFFFF  }
0xc0: {  	_ =	task.clear_ibuf [dreg:s6], $0x2FFFF;
	_ =	strace $0x9FFFFFFF  }
0xc1: {  	(tm) =	ssettm $0x7FFFFFFF  }
tec
execute0_lowered:
.L_overlay_start_1:
0x0: {  	(tag) =	ssettag $0x1  }
0x1: {  	s1 =	srdreg.scid;
	s0 =	stileid.u32  }
0x2: {  	s4 =	rddreg [dreg:$0x0];
	s2 =	simm.s32 $0x0;
	s14 =	simm.s32 $0x3000  }
0x3: {  	s15 =	simm.s32 $0x5000;
	s16 =	simm.s32 $0x7000;
	s17 =	simm.s32 $0x7600  }
0x4: {  	s18 =	simm.s32 $0x7C00;
	s3 =	sand.u32 $0x1, s1;
	s1 =	rddreg [dreg:$0x1]  }
0x5: {  	s19 =	simm.s32 $0x0;
	s5 =	sshll.u32 s0, $0x1;
	[smem:$0x7FF] =	sst s2  }
0x6: {  	s7 =	sadd.s32 $0x10000, s4;
	s30 =	sshrl.u32 s0, $0x2;
	s5 =	sor.u32 s3, s5  }
0x7: {  	_ =	strace $0x80000047;
	s3 =	ssub.s32 $0x2, s3;
	s11 =	smul.u32 $0x600, s30  }
0x8: {  	s6 =	smul.u32 $0xC0, s5;
	s9 =	sshll.u32 s5, $0x4;
	s10 =	sand.u32 $0x7, s5  }
0x9: {  	s5 =	sshll.u32 s30, $0x4;
	s13 =	sshrl.u32 s3, $0x1;
	s12 =	sshll.u32 s10, $0xC  }
0xa: {  	s9 =	sadd.s32 s9, s4;
	s31 =	ssub.s32 s3, s13;
	s3 =	sadd.s32 s7, s11  }
0xb: {  	s10 =	smul.u32 $0x600, s10;
	s11 =	simm.s32 $0x1;
	s13 =	simm.s32 $0x200  }
0xc: {  	s8 =	sadd.s32 s6, s4;
	s5 =	sor.u32 s5, s12;
	s6 =	sadd.s32 s7, s6  }
0xd: {  	s12 =	simm.s32 $0x80;
	s4 =	sadd.s32 s4, s5;
	s7 =	sadd.s32 $0x11800, s8  }
0xe: {  	v0 =	vimm.f32 $0.0e+00;
	s8 =	sadd.s32 $0x13000, s9;
	s9 =	smax.u32 s31, $0x1;
	s5 =	sadd.s32 $0x8000, s4  }
.LBB2_1:
0xf: {  	[tilespmem:s2], [sflag:$0x1] =	stream.linear.gather [hbm4b:s3+s2], $0x3000, $0x38;
	[tilespmem:$0x7C80] =	vst v63  }
0x10: {  	_ =	swait.ge [sflag:s11], $0x3000  }
0x11: {  	[sflag:s11] =	ssyncset.done $0x0  }
0x12: {  	[sflag:s11] =	ssyncadd.s32 $0xFFFFD000  }
0x13: {  	[tilespmem:s14], [sflag:$0x1] =	stream.strided.gather [hbm4b:s4+s12], $0x2000, s13, s12, $0x38;
	[tilespmem:$0x7C80] =	vst v63  }
0x14: {  	_ =	swait.ge [sflag:s11], $0x2000  }
0x15: {  	[sflag:s11] =	ssyncset.done $0x0  }
0x16: {  	[sflag:s11] =	ssyncadd.s32 $0xFFFFE000  }
0x17: {  	[tilespmem:s15], [sflag:$0x1] =	stream.strided.gather [hbm4b:s5+s12], $0x2000, s13, s12, $0x38;
	[tilespmem:$0x7C80] =	vst v63  }
0x18: {  	_ =	swait.ge [sflag:s11], $0x2000  }
0x19: {  	[sflag:s11] =	ssyncset.done $0x0  }
0x1a: {  	[sflag:s11] =	ssyncadd.s32 $0xFFFFE000  }
0x1b: {  	[tilespmem:s16], [sflag:$0x1] =	stream.linear.gather [hbm4b:s6+s2], $0x600, $0x38;
	[tilespmem:$0x7C80] =	vst v63  }
0x1c: {  	_ =	swait.ge [sflag:s11], $0x600  }
0x1d: {  	[sflag:s11] =	ssyncset.done $0x0  }
0x1e: {  	[sflag:s11] =	ssyncadd.s32 $0xFFFFFA00  }
0x1f: {  	[tilespmem:s17], [sflag:$0x1] =	stream.linear.gather [hbm4b:s7+s2], $0x600, $0x38;
	[tilespmem:$0x7C80] =	vst v63  }
0x20: {  	_ =	swait.ge [sflag:s11], $0x600  }
0x21: {  	[sflag:s11] =	ssyncset.done $0x0  }
0x22: {  	s20 =	simm.s32 $0x0;
	[sflag:s11] =	ssyncadd.s32 $0xFFFFFA00  }
0x23: {  	v1 =	vld [tilespmem:s20+$0x3000]  }
0x24: {  	v2 =	vld [tilespmem:s20+$0x5000]  }
0x25: {  	v3 =	vmov s10  }
0x26: {  	v4 =	vadd.s32 $0x2, v3  }
0x27: {  	s30 =	simm.s32 $0x10;
	v5 =	vadd.s32 $0x1, v3  }
0x28: {  	v6 =	vld [tilespmem:s30+$0x3000];
	v1 =	vmul.u32 $0x3, v1  }
0x29: {  	v7 =	vld [tilespmem:s30+$0x5000];
	v2 =	vmul.u32 $0x3, v2  }
0x2a: {  	v3 =	vld.idx.msk [tilespmem:v3+s2+$0x0], $0xffff  }
0x2b: {  	v15 =	vld.idx.msk [tilespmem:v4+s2+$0x0], $0xffff;
	v8 =	vadd.s32 $0x2, v1  }
0x2c: {  	s31 =	simm.s32 $0x20;
	v12 =	vld.idx.msk [tilespmem:v5+s2+$0x0], $0xffff;
	v9 =	vadd.s32 $0x1, v1  }
0x2d: {  	v5 =	vld [tilespmem:s31+$0x5000];
	v4 =	vadd.s32 $0x1, v2  }
0x2e: {  	v11 =	vld.idx.msk [tilespmem:v1+s2+$0x0], $0xffff  }
0x2f: {  	s21 =	sadd.s32 $0x3, s10;
	v1 =	vadd.s32 $0x2, v2;
	v2 =	vld.idx.msk [tilespmem:v2+s2+$0x0], $0xffff  }
0x30: {  	v13 =	vld.idx.msk [tilespmem:v8+s2+$0x0], $0xffff;
	v8 =	vmov s21  }
0x31: {  	v14 =	vld.idx.msk [tilespmem:v9+s2+$0x0], $0xffff;
	v9 =	vadd.s32 $0x2, v8  }
0x32: {  	v6 =	vmul.u32 $0x3, v6;
	v16 =	vld.idx.msk [tilespmem:v4+s2+$0x0], $0xffff;
	v17 =	vadd.s32 $0x1, v8  }
0x33: {  	v7 =	vmul.u32 $0x3, v7;
	v4 =	vld [tilespmem:s31+$0x3000]  }
0x34: {  	v10 =	vadd.s32 $0x2, v6;
	v18 =	vld.idx.msk [tilespmem:v1+s2+$0x0], $0xffff  }
0x35: {  	v19 =	vsub.f32 v11, v3;
	v20 =	vsub.f32 v2, v3;
	v1 =	vld.idx.msk [tilespmem:v8+s2+$0x0], $0xffff;
	v8 =	vadd.s32 $0x1, v6  }
0x36: {  	v21 =	vsub.f32 v14, v12;
	v11 =	vsub.f32 v13, v15;
	v3 =	vld.idx.msk [tilespmem:v9+s2+$0x0], $0xffff;
	v9 =	vadd.s32 $0x1, v7  }
0x37: {  	v2 =	vld.idx.msk [tilespmem:v17+s2+$0x0], $0xffff;
	v13 =	vand.u32 $0x7FFFFFFF, v19;
	v14 =	vand.u32 $0x7FFFFFFF, v20;
	v17 =	vsub.f32 v16, v12  }
0x38: {  	v6 =	vld.idx.msk [tilespmem:v6+s2+$0x0], $0xffff;
	v12 =	vadd.s32 $0x2, v7;
	v13 =	vadd.f32 v13, v0;
	v14 =	vadd.f32 v14, v0  }
0x39: {  	s22 =	simm.s32 $0xC0;
	s20 =	simm.s32 $0x0;
	v7 =	vld.idx.msk [tilespmem:v7+s2+$0x0], $0xffff;
	v16 =	vand.u32 $0x7FFFFFFF, v21;
	v17 =	vand.u32 $0x7FFFFFFF, v17;
	v15 =	vsub.f32 v18, v15  }
.LBB2_2:
0x3a: {  	p0 =	sne.s32 s22, $0x7FC0;
	v18 =	vld.idx.msk [tilespmem:v10+s20+$0x0], $0xffff;
	s21 =	sadd.s32 $0x3, s21;
	v10 =	vadd.f32 v16, v13;
	v13 =	vadd.f32 v17, v14  }
0x3b: {  	v14 =	vmov s21;
	v16 =	vld.idx.msk [tilespmem:v8+s20+$0x0], $0xffff;
	v8 =	vand.u32 $0x7FFFFFFF, v11;
	v11 =	vand.u32 $0x7FFFFFFF, v15  }
0x3c: {  	s23 =	sshra.s32 s22, $0x2;
	v21 =	vmovc v3;
	v15 =	vadd.s32 $0x2, v14;
	v17 =	vld.idx.msk [tilespmem:v9+s20+$0x0], $0xffff;
	v19 =	vadd.f32 v8, v10;
	v20 =	vadd.f32 v11, v13  }
0x3d: {  	v22 =	vmul.u32 $0x3, v4;
	v13 =	vadd.s32 $0x1, v14;
	v4 =	vld [tilespmem:s23+$0x3000]  }
0x3e: {  	v23 =	vmul.u32 $0x3, v5;
	v24 =	vld.idx.msk [tilespmem:v12+s20+$0x0], $0xffff  }
0x3f: {  	v10 =	vadd.s32 $0x2, v22;
	s20 =	simm.s32 $0x0;
	v5 =	vld [tilespmem:s23+$0x5000]  }
.Ltmp0:
0x40: {  	v8 =	vadd.s32 $0x1, v22;
	v6 =	vsub.f32 v6, v1;
	v7 =	vsub.f32 v7, v1;
	v1 =	vld.idx.msk [tilespmem:v14+s20+$0x0], $0xffff;
	(pc) =	sbr.rel @p0 .LBB2_2-.Ltmp0, $4  }
0x41: {  	v9 =	vadd.s32 $0x1, v23;
	v11 =	vsub.f32 v18, v21;
	v3 =	vld.idx.msk [tilespmem:v15+s20+$0x0], $0xffff;
	v15 =	vsub.f32 v16, v2  }
0x42: {  	v14 =	vand.u32 $0x7FFFFFFF, v6;
	v7 =	vand.u32 $0x7FFFFFFF, v7;
	v17 =	vsub.f32 v17, v2;
	v2 =	vld.idx.msk [tilespmem:v13+s20+$0x0], $0xffff  }
0x43: {  	v12 =	vadd.s32 $0x2, v23;
	v13 =	vadd.f32 v14, v19;
	v14 =	vadd.f32 v7, v20;
	v6 =	vld.idx.msk [tilespmem:v22+s20+$0x0], $0xffff  }
0x44: {  	s22 =	sadd.s32 $0x40, s22;
	v16 =	vand.u32 $0x7FFFFFFF, v15;
	v17 =	vand.u32 $0x7FFFFFFF, v17;
	v15 =	vsub.f32 v24, v21;
	v7 =	vld.idx.msk [tilespmem:v23+s20+$0x0], $0xffff  }
0x45: {  	_ =	sdelay $0x1  }
0x46: {  	s21 =	sadd.s32 $0x3, s21  }
0x47: {  	v4 =	vmul.u32 $0x3, v4;
	v18 =	vmov s21  }
0x48: {  	v8 =	vld.idx.msk [tilespmem:v8+s20+$0x0], $0xffff;
	v5 =	vmul.u32 $0x3, v5  }
0x49: {  	v9 =	vld.idx.msk [tilespmem:v9+s20+$0x0], $0xffff;
	v13 =	vadd.f32 v16, v13  }
0x4a: {  	v10 =	vld.idx.msk [tilespmem:v10+s20+$0x0], $0xffff;
	v14 =	vadd.f32 v17, v14;
	v11 =	vand.u32 $0x7FFFFFFF, v11;
	v19 =	vadd.s32 $0x2, v18  }
0x4b: {  	v12 =	vld.idx.msk [tilespmem:v12+s20+$0x0], $0xffff;
	v15 =	vand.u32 $0x7FFFFFFF, v15;
	v20 =	vadd.s32 $0x1, v18;
	v55 =	vadd.s32 $0x2, v4  }
0x4c: {  	v6 =	vsub.f32 v6, v1;
	v1 =	vsub.f32 v7, v1;
	v7 =	vadd.s32 $0x1, v5;
	v56 =	vld.idx.msk [tilespmem:v18+s20+$0x0], $0xffff  }
0x4d: {  	v57 =	vadd.s32 $0x1, v4;
	v14 =	vadd.f32 v15, v14;
	v60 =	vadd.s32 $0x2, v5;
	v4 =	vld.idx.msk [tilespmem:v4+s20+$0x0], $0xffff  }
0x4e: {  	v8 =	vsub.f32 v8, v2;
	v2 =	vsub.f32 v9, v2;
	v1 =	vand.u32 $0x7FFFFFFF, v1;
	v5 =	vld.idx.msk [tilespmem:v5+s20+$0x0], $0xffff  }
0x4f: {  	v11 =	vadd.f32 v11, v13;
	v58 =	vld.idx.msk [tilespmem:v19+s20+$0x0], $0xffff;
	v1 =	vadd.f32 v1, v14  }
0x50: {  	v10 =	vsub.f32 v10, v3;
	v3 =	vsub.f32 v12, v3;
	v59 =	vld.idx.msk [tilespmem:v20+s20+$0x0], $0xffff;
	v2 =	vand.u32 $0x7FFFFFFF, v2  }
0x51: {  	v6 =	vand.u32 $0x7FFFFFFF, v6;
	v1 =	vadd.f32 v2, v1;
	v2 =	vld.idx.msk [tilespmem:v7+s20+$0x0], $0xffff  }
0x52: {  	v6 =	vadd.f32 v6, v11;
	v62 =	vld.idx.msk [tilespmem:v57+s20+$0x0], $0xffff;
	v3 =	vand.u32 $0x7FFFFFFF, v3  }
0x53: {  	v8 =	vand.u32 $0x7FFFFFFF, v8;
	v1 =	vadd.f32 v3, v1;
	v3 =	vld.idx.msk [tilespmem:v60+s20+$0x0], $0xffff  }
0x54: {  	v6 =	vadd.f32 v8, v6;
	v5 =	vsub.f32 v5, v56  }
0x55: {  	v61 =	vld.idx.msk [tilespmem:v55+s20+$0x0], $0xffff;
	v7 =	vand.u32 $0x7FFFFFFF, v10;
	v4 =	vsub.f32 v4, v56  }
0x56: {  	v6 =	vadd.f32 v7, v6;
	v5 =	vand.u32 $0x7FFFFFFF, v5;
	v2 =	vsub.f32 v2, v59  }
0x57: {  	v7 =	vsub.f32 v62, v59;
	v4 =	vand.u32 $0x7FFFFFFF, v4;
	v1 =	vadd.f32 v5, v1  }
0x58: {  	p0 =	por $0x1, $0x1;
	v4 =	vadd.f32 v4, v6;
	v2 =	vand.u32 $0x7FFFFFFF, v2;
	v3 =	vsub.f32 v3, v58  }
.Ltmp1:
0x59: {  	s31 =	simm.s32 $0x0;
	v5 =	vand.u32 $0x7FFFFFFF, v7;
	v2 =	vadd.f32 v2, v1;
	(pc) =	sbr.rel @!p0 .LBB2_5-.Ltmp1, $4  }
0x5a: {  	v63 =	vsub.f32 v61, v58;
	v4 =	vadd.f32 v5, v4;
	v5 =	vand.u32 $0x7FFFFFFF, v3;
	v3 =	vld [tilespmem:s31+$0x7000]  }
0x5b: {  	v2 =	vadd.f32 v5, v2;
	v5 =	vld [tilespmem:s31+$0x7600]  }
0x5c: {  	v1 =	vand.u32 $0x7FFFFFFF, v63  }
0x5d: {  	s20 =	simm.s32 $0x40;
	v1 =	vadd.f32 v1, v4;
	v4 =	vimm.f32 $0.0e+00  }
.LBB2_4:
0x5e: {  	p0 =	sne.s32 s20, $0x17C0  }
.Ltmp2:
0x5f: {  	s21 =	sshra.s32 s20, $0x2;
	(pc) =	sbr.rel @p0 .LBB2_4-.Ltmp2, $4  }
0x60: {  	s20 =	sadd.s32 $0x40, s20;
	v6 =	vsub.f32 v3, v5;
	v3 =	vld [tilespmem:s21+$0x7000]  }
0x61: {  	v5 =	vld [tilespmem:s21+$0x7600]  }
0x62: {  	v6 =	vand.u32 $0x7FFFFFFF, v6  }
0x63: {  	v4 =	vadd.f32 v6, v4  }
.LBB2_5:
0x64: {  	_ =	sdelay $0x1  }
0x65: {  	v3 =	vsub.f32 v3, v5;
	_ =	sdelay $0x1  }
0x66: {  	[tilespmem:$0x7C10] =	vst v2;
	v3 =	vand.u32 $0x7FFFFFFF, v3  }
0x67: {  	[tilespmem:$0x7C30] =	vst v0;
	s19 =	sadd.s32 $0x1, s19;
	v3 =	vadd.f32 v3, v4  }
0x68: {  	[tilespmem:$0x7C00] =	vst v1;
	p0 =	sne.s32 s19, s9  }
.Ltmp3:
0x69: {  	[tilespmem:$0x7C20] =	vst v3;
	(pc) =	sbr.rel @p0 .LBB2_1-.Ltmp3, $4  }
0x6a: {  	[hbm4b:s8+s2] =	stream.linear.scatter [tilespmem:s18], [sflag:$0x1], $0x80, $0x38;
	[tilespmem:$0x7C80] =	vst v63  }
0x6b: {  	_ =	swait.ge [sflag:s11], $0x80  }
0x6c: {  	[sflag:s11] =	ssyncset.done $0x0  }
0x6d: {  	[sflag:s11] =	ssyncadd.s32 $0xFFFFFF80  }
0x6e: {  	_ =	sfence.sel $0x180000  }
0x6f: {  	[bflag:$0x0] =	sbarrier.arrive $0xFFFF  }
0x70: {  	p0 =	sne.s32 s0, $0x0;
	_ =	strace $0x90000047  }
0x71: {  	s0 =	sadd.s32 @!p0 $0x100000, s1;
	[bflag:$0x2] =	sbarrier.arrive $0xFFFF  }
0x72: {  	[sflag:s0] =	ssyncadd.tile.s32 @!p0 $0x1;
	_ =	shalt  }
.Lfunc_end2:
_tile_overlayer_lowered:
.L_overlay_start_2:
0x73: {  	(tag) =	ssettag $0x2  }
0x74: {  	s0 =	rddreg [dreg:$0x0];
	s2 =	stileid.u32  }
0x75: {  	s1 =	rddreg [dreg:$0x1];
	p0 =	sne.s32 s2, $0x0  }
0x76: {  	s3 =	rddreg [dreg:$0x2];
	[bflag:$0x3] =	sbarrier.arrive $0xFFFF;
	s2 =	simm.s32 @!p0 $0x1C01  }
0x77: {  	[timem:s3], [sflag:s2] =	dma.local @!p0 [hbm:s0], s1  }
0x78: {  	s0 =	simm.s32 @!p0 $0x1  }
0x79: {  	_ =	swait.ge @!p0 [sflag:s0], s1  }
0x7a: {  	s1 =	ssub.s32 @!p0 $0x0, s1;
	[sflag:s0] =	ssyncset.done @!p0 $0x0  }
0x7b: {  	[sflag:s0] =	ssyncadd.s32 @!p0 s1  }
0x7c: {  	[bflag:$0x3] =	sbarrier.arrive $0xFFFF  }
0x7d: {  	_ =	shalt  }

</sc_bundles>
